<compile_context>
chip_gen: v7x
topology: tpu7x:2x2x1
jax: 0.10.2.dev20260603
libtpu: 0.0.44.dev20260713+nightly
codegen_flags: <defaults>
</compile_context>

<pallas_src>
import functools

import jax
import jax.numpy as jnp
from jax import lax
from jax.experimental import pallas as pl
from jax.experimental.pallas import tpu as pltpu
from jax.experimental.pallas import tpu_sc as plsc

_NC = 2
_NS = 16
_NW = _NC * _NS


@functools.partial(jax.jit, static_argnames=("b_per_chunk", "nbuf", "depth"))
def _gather_sc(idx, table, b_per_chunk=8, nbuf=4, depth=2):
    batch, hist = idx.shape
    d = table.shape[1]
    b_per_w = batch // _NW
    n_chunks = b_per_w // b_per_chunk
    assert b_per_w % b_per_chunk == 0 and n_chunks > nbuf

    mesh = plsc.VectorSubcoreMesh(core_axis_name="c", subcore_axis_name="s")

    @functools.partial(
        pl.kernel,
        out_type=jax.ShapeDtypeStruct((batch, hist, d), jnp.float32),
        mesh=mesh,
        scratch_types=[
            pltpu.VMEM((b_per_w, hist), jnp.int32),
            pltpu.VMEM((nbuf, b_per_chunk, hist, d), jnp.float32),
            pltpu.SemaphoreType.DMA,
            pltpu.SemaphoreType.DMA,
        ],
        compiler_params=pltpu.CompilerParams(use_tc_tiling_on_sc=False),
    )
    def k(idx_hbm, table_hbm, out_hbm, idx_v, rows_v, gsem, osem):
        wid = lax.axis_index("s") * _NC + lax.axis_index("c")
        base_b = wid * b_per_w
        pltpu.sync_copy(idx_hbm.at[pl.ds(base_b, b_per_w)], idx_v)

        def gather(g, buf):
            for j in range(b_per_chunk):
                pltpu.async_copy(
                    table_hbm.at[idx_v.at[g * b_per_chunk + j]],
                    rows_v.at[buf, j],
                    gsem,
                )

        def gather_wait(g, buf):
            for j in range(b_per_chunk):
                pltpu.make_async_copy(
                    table_hbm.at[idx_v.at[g * b_per_chunk + j]],
                    rows_v.at[buf, j],
                    gsem,
                ).wait()

        def out_copy(g, buf):
            return pltpu.make_async_copy(
                rows_v.at[buf],
                out_hbm.at[pl.ds(base_b + g * b_per_chunk, b_per_chunk)],
                osem,
            )

        for g in range(depth):
            gather(g, g % nbuf)

        def body(g, carry):
            buf = lax.rem(g, nbuf)
            gather_wait(g, buf)

            @pl.when(g >= nbuf - depth)
            def _():
                out_copy(g + depth - nbuf, lax.rem(g + depth, nbuf)).wait()

            @pl.when(g + depth < n_chunks)
            def _():
                gather(g + depth, lax.rem(g + depth, nbuf))

            out_copy(g, buf).start()
            return carry

        lax.fori_loop(0, n_chunks, body, 0)

        for t in range(nbuf - depth):
            out_copy(n_chunks - (nbuf - depth) + t, 0).wait()

    return k(idx, table)


def kernel(entity_indices, table):
    return _gather_sc(entity_indices.astype(jnp.int32), table)

# --- scband reference (transcript-rebuilt; emitter-appended) ---
"""Pipeline reference for scband-entity-embedding-76390288327761 (READ-ONLY COPY).

The authoritative reference and input builder live on the scoring server;
editing this copy changes nothing except your own understanding.
"""

import jax, jax.numpy as jnp
import numpy as np

VOCAB = 1000000
EMBED_DIM = 64
BATCH = 16384
HIST = 50
PADDING_IDX = 0

def setup_inputs(seed: int = 0) -> dict:
    key = jax.random.key(seed)
    k_idx, k_tab = jax.random.split(key)
    entity_indices = jax.random.randint(k_idx, (BATCH, HIST), 0, VOCAB, dtype=jnp.int64 if jax.config.jax_enable_x64 else jnp.int32)
    # Xavier-uniform init for the embedding table, padding row zeroed (matches module init)
    bound = float(np.sqrt(6.0 / (VOCAB + EMBED_DIM)))
    table = jax.random.uniform(k_tab, (VOCAB, EMBED_DIM), dtype=jnp.float32, minval=-bound, maxval=bound)
    table = table.at[PADDING_IDX].set(0.0)
    return {"entity_indices": entity_indices, "table": table}

def reference(entity_indices, table):
    # EntityEmbedding.forward: return self.embedding(entity_indices)
    return jnp.take(table, entity_indices, axis=0)

if __name__ == "__main__":
    import jax
    _d = setup_inputs()
    print(jax.jit(kernel)(*tuple(_d.values())))

</pallas_src>

<mosaic_0001>
#map = affine_map<(d0, d1) -> (0, 0)>
#map1 = affine_map<(d0, d1) -> (0, 0, 0)>
module attributes {stable_mosaic.version = 14 : i64} {
  func.func @k(%arg0: i32, %arg1: i32, %arg2: memref<16384x50xi32, #tpu.memory_space<hbm>>, %arg3: memref<1000000x64xf32, #tpu.memory_space<hbm>>, %arg4: memref<16384x50x64xf32, #tpu.memory_space<hbm>>, %arg5: memref<512x50xi32, #tpu.memory_space<vmem>>, %arg6: memref<4x8x50x64xf32, #tpu.memory_space<vmem>>, %arg7: memref<!tpu.dma_semaphore, #tpu.memory_space<semaphore_mem>>, %arg8: memref<!tpu.dma_semaphore, #tpu.memory_space<semaphore_mem>>) attributes {dimension_semantics = [#tpu.dimension_semantics<core_parallel>, #tpu.dimension_semantics<subcore_parallel>], iteration_bounds = array<i64: 2, 16>, scalar_prefetch = 0 : i64, scratch_operands = 4 : i64, tpu.core_type = #tpu.core_type<sc_vector_subcore>, window_params = [{transform_indices = #map}, {transform_indices = #map}, {transform_indices = #map1}]} {
    %mul3A = arith.constant 2 : i32
    %mul3A_0 = arith.muli %arg1, %mul3A : i32
    %add3A = arith.addi %mul3A_0, %arg0 : i32
    %mul3A_1 = arith.constant 512 : i32
    %mul3A_2 = arith.muli %add3A, %mul3A_1 : i32
    "tpu.region"() ({
      %run_scoped3A = tpu.sem_alloc : memref<!tpu.dma_semaphore, #tpu.memory_space<semaphore_mem>>
      %dma_start3A_252 = arith.constant 0 : i32
      %dma_start3A_253 = tpu.memref_slice %arg2[%mul3A_2, %dma_start3A_252] : memref<16384x50xi32, #tpu.memory_space<hbm>> -> memref<512x50xi32, #tpu.memory_space<hbm>>
      %dma_start3A_254 = arith.constant 0 : i32
      %dma_start3A_255 = tpu.memref_slice %arg2[%mul3A_2, %dma_start3A_254] : memref<16384x50xi32, #tpu.memory_space<hbm>> -> memref<512x50xi32, #tpu.memory_space<hbm>>
      tpu.enqueue_dma source(%dma_start3A_255 : memref<512x50xi32, #tpu.memory_space<hbm>>) target(%arg5 : memref<512x50xi32, #tpu.memory_space<vmem>>) target_semaphore(%run_scoped3A : memref<!tpu.dma_semaphore, #tpu.memory_space<semaphore_mem>>)
      %dma_wait3A_256 = arith.constant 0 : i32
      %dma_wait3A_257 = tpu.memref_slice %arg2[%mul3A_2, %dma_wait3A_256] : memref<16384x50xi32, #tpu.memory_space<hbm>> -> memref<512x50xi32, #tpu.memory_space<hbm>>
      %dma_wait3A_258 = arith.constant 0 : i32
      %dma_wait3A_259 = tpu.memref_slice %arg2[%mul3A_2, %dma_wait3A_258] : memref<16384x50xi32, #tpu.memory_space<hbm>> -> memref<512x50xi32, #tpu.memory_space<hbm>>
      tpu.wait_dma2 semaphore(%run_scoped3A : memref<!tpu.dma_semaphore, #tpu.memory_space<semaphore_mem>>) src(%dma_wait3A_259 : memref<512x50xi32, #tpu.memory_space<hbm>>) dst(%arg5 : memref<512x50xi32, #tpu.memory_space<vmem>>)
      tpu.yield
    }) : () -> ()
    %dma_start3A = arith.constant 0 : i32
    %dma_start3A_3 = arith.constant 0 : i32
    %dma_start3A_4 = arith.constant 0 : i32
    %dma_start3A_5 = arith.constant 0 : i32
    %dma_start3A_6 = arith.constant 0 : i32
    %dma_start3A_7 = tpu.memref_slice %arg6[%dma_start3A_3, %dma_start3A_4, %dma_start3A_5, %dma_start3A_6] : memref<4x8x50x64xf32, #tpu.memory_space<vmem>> -> memref<1x1x50x64xf32, #tpu.memory_space<vmem>>
    %dma_start3A_8 = tpu.memref_squeeze %dma_start3A_7 : memref<1x1x50x64xf32, #tpu.memory_space<vmem>> -> memref<50x64xf32, #tpu.memory_space<vmem>>
    %dma_start3A_9 = arith.constant 0 : i32
    %dma_start3A_10 = tpu.memref_slice %arg5[%dma_start3A, %dma_start3A_9] : memref<512x50xi32, #tpu.memory_space<vmem>> -> memref<1x50xi32, #tpu.memory_space<vmem>>
    %dma_start3A_11 = tpu.memref_squeeze %dma_start3A_10 : memref<1x50xi32, #tpu.memory_space<vmem>> -> memref<50xi32, #tpu.memory_space<vmem>>
    %dma_start3A_12 = arith.constant 0 : i32
    %dma_start3A_13 = arith.constant 0 : i32
    %dma_start3A_14 = tpu.memref_slice %arg3[%dma_start3A_12, %dma_start3A_13] : memref<1000000x64xf32, #tpu.memory_space<hbm>> -> memref<1000000x64xf32, #tpu.memory_space<hbm>>
    tpu.enqueue_indirect_dma source(%dma_start3A_14 : memref<1000000x64xf32, #tpu.memory_space<hbm>>) target(%dma_start3A_8 : memref<50x64xf32, #tpu.memory_space<vmem>>) offsets(%dma_start3A_11 : memref<50xi32, #tpu.memory_space<vmem>>) semaphore(%arg7 : memref<!tpu.dma_semaphore, #tpu.memory_space<semaphore_mem>>)
    %dma_start3A_15 = arith.constant 1 : i32
    %dma_start3A_16 = arith.constant 0 : i32
    %dma_start3A_17 = arith.constant 1 : i32
    %dma_start3A_18 = arith.constant 0 : i32
    %dma_start3A_19 = arith.constant 0 : i32
    %dma_start3A_20 = tpu.memref_slice %arg6[%dma_start3A_16, %dma_start3A_17, %dma_start3A_18, %dma_start3A_19] : memref<4x8x50x64xf32, #tpu.memory_space<vmem>> -> memref<1x1x50x64xf32, #tpu.memory_space<vmem>>
    %dma_start3A_21 = tpu.memref_squeeze %dma_start3A_20 : memref<1x1x50x64xf32, #tpu.memory_space<vmem>> -> memref<50x64xf32, #tpu.memory_space<vmem>>
    %dma_start3A_22 = arith.constant 0 : i32
    %dma_start3A_23 = tpu.memref_slice %arg5[%dma_start3A_15, %dma_start3A_22] : memref<512x50xi32, #tpu.memory_space<vmem>> -> memref<1x50xi32, #tpu.memory_space<vmem>>
    %dma_start3A_24 = tpu.memref_squeeze %dma_start3A_23 : memref<1x50xi32, #tpu.memory_space<vmem>> -> memref<50xi32, #tpu.memory_space<vmem>>
    %dma_start3A_25 = arith.constant 0 : i32
    %dma_start3A_26 = arith.constant 0 : i32
    %dma_start3A_27 = tpu.memref_slice %arg3[%dma_start3A_25, %dma_start3A_26] : memref<1000000x64xf32, #tpu.memory_space<hbm>> -> memref<1000000x64xf32, #tpu.memory_space<hbm>>
    tpu.enqueue_indirect_dma source(%dma_start3A_27 : memref<1000000x64xf32, #tpu.memory_space<hbm>>) target(%dma_start3A_21 : memref<50x64xf32, #tpu.memory_space<vmem>>) offsets(%dma_start3A_24 : memref<50xi32, #tpu.memory_space<vmem>>) semaphore(%arg7 : memref<!tpu.dma_semaphore, #tpu.memory_space<semaphore_mem>>)
    %dma_start3A_28 = arith.constant 2 : i32
    %dma_start3A_29 = arith.constant 0 : i32
    %dma_start3A_30 = arith.constant 2 : i32
    %dma_start3A_31 = arith.constant 0 : i32
    %dma_start3A_32 = arith.constant 0 : i32
    %dma_start3A_33 = tpu.memref_slice %arg6[%dma_start3A_29, %dma_start3A_30, %dma_start3A_31, %dma_start3A_32] : memref<4x8x50x64xf32, #tpu.memory_space<vmem>> -> memref<1x1x50x64xf32, #tpu.memory_space<vmem>>
    %dma_start3A_34 = tpu.memref_squeeze %dma_start3A_33 : memref<1x1x50x64xf32, #tpu.memory_space<vmem>> -> memref<50x64xf32, #tpu.memory_space<vmem>>
    %dma_start3A_35 = arith.constant 0 : i32
    %dma_start3A_36 = tpu.memref_slice %arg5[%dma_start3A_28, %dma_start3A_35] : memref<512x50xi32, #tpu.memory_space<vmem>> -> memref<1x50xi32, #tpu.memory_space<vmem>>
    %dma_start3A_37 = tpu.memref_squeeze %dma_start3A_36 : memref<1x50xi32, #tpu.memory_space<vmem>> -> memref<50xi32, #tpu.memory_space<vmem>>
    %dma_start3A_38 = arith.constant 0 : i32
    %dma_start3A_39 = arith.constant 0 : i32
    %dma_start3A_40 = tpu.memref_slice %arg3[%dma_start3A_38, %dma_start3A_39] : memref<1000000x64xf32, #tpu.memory_space<hbm>> -> memref<1000000x64xf32, #tpu.memory_space<hbm>>
    tpu.enqueue_indirect_dma source(%dma_start3A_40 : memref<1000000x64xf32, #tpu.memory_space<hbm>>) target(%dma_start3A_34 : memref<50x64xf32, #tpu.memory_space<vmem>>) offsets(%dma_start3A_37 : memref<50xi32, #tpu.memory_space<vmem>>) semaphore(%arg7 : memref<!tpu.dma_semaphore, #tpu.memory_space<semaphore_mem>>)
    %dma_start3A_41 = arith.constant 3 : i32
    %dma_start3A_42 = arith.constant 0 : i32
    %dma_start3A_43 = arith.constant 3 : i32
    %dma_start3A_44 = arith.constant 0 : i32
    %dma_start3A_45 = arith.constant 0 : i32
    %dma_start3A_46 = tpu.memref_slice %arg6[%dma_start3A_42, %dma_start3A_43, %dma_start3A_44, %dma_start3A_45] : memref<4x8x50x64xf32, #tpu.memory_space<vmem>> -> memref<1x1x50x64xf32, #tpu.memory_space<vmem>>
    %dma_start3A_47 = tpu.memref_squeeze %dma_start3A_46 : memref<1x1x50x64xf32, #tpu.memory_space<vmem>> -> memref<50x64xf32, #tpu.memory_space<vmem>>
    %dma_start3A_48 = arith.constant 0 : i32
    %dma_start3A_49 = tpu.memref_slice %arg5[%dma_start3A_41, %dma_start3A_48] : memref<512x50xi32, #tpu.memory_space<vmem>> -> memref<1x50xi32, #tpu.memory_space<vmem>>
    %dma_start3A_50 = tpu.memref_squeeze %dma_start3A_49 : memref<1x50xi32, #tpu.memory_space<vmem>> -> memref<50xi32, #tpu.memory_space<vmem>>
    %dma_start3A_51 = arith.constant 0 : i32
    %dma_start3A_52 = arith.constant 0 : i32
    %dma_start3A_53 = tpu.memref_slice %arg3[%dma_start3A_51, %dma_start3A_52] : memref<1000000x64xf32, #tpu.memory_space<hbm>> -> memref<1000000x64xf32, #tpu.memory_space<hbm>>
    tpu.enqueue_indirect_dma source(%dma_start3A_53 : memref<1000000x64xf32, #tpu.memory_space<hbm>>) target(%dma_start3A_47 : memref<50x64xf32, #tpu.memory_space<vmem>>) offsets(%dma_start3A_50 : memref<50xi32, #tpu.memory_space<vmem>>) semaphore(%arg7 : memref<!tpu.dma_semaphore, #tpu.memory_space<semaphore_mem>>)
    %dma_start3A_54 = arith.constant 4 : i32
    %dma_start3A_55 = arith.constant 0 : i32
    %dma_start3A_56 = arith.constant 4 : i32
    %dma_start3A_57 = arith.constant 0 : i32
    %dma_start3A_58 = arith.constant 0 : i32
    %dma_start3A_59 = tpu.memref_slice %arg6[%dma_start3A_55, %dma_start3A_56, %dma_start3A_57, %dma_start3A_58] : memref<4x8x50x64xf32, #tpu.memory_space<vmem>> -> memref<1x1x50x64xf32, #tpu.memory_space<vmem>>
    %dma_start3A_60 = tpu.memref_squeeze %dma_start3A_59 : memref<1x1x50x64xf32, #tpu.memory_space<vmem>> -> memref<50x64xf32, #tpu.memory_space<vmem>>
    %dma_start3A_61 = arith.constant 0 : i32
    %dma_start3A_62 = tpu.memref_slice %arg5[%dma_start3A_54, %dma_start3A_61] : memref<512x50xi32, #tpu.memory_space<vmem>> -> memref<1x50xi32, #tpu.memory_space<vmem>>
    %dma_start3A_63 = tpu.memref_squeeze %dma_start3A_62 : memref<1x50xi32, #tpu.memory_space<vmem>> -> memref<50xi32, #tpu.memory_space<vmem>>
    %dma_start3A_64 = arith.constant 0 : i32
    %dma_start3A_65 = arith.constant 0 : i32
    %dma_start3A_66 = tpu.memref_slice %arg3[%dma_start3A_64, %dma_start3A_65] : memref<1000000x64xf32, #tpu.memory_space<hbm>> -> memref<1000000x64xf32, #tpu.memory_space<hbm>>
    tpu.enqueue_indirect_dma source(%dma_start3A_66 : memref<1000000x64xf32, #tpu.memory_space<hbm>>) target(%dma_start3A_60 : memref<50x64xf32, #tpu.memory_space<vmem>>) offsets(%dma_start3A_63 : memref<50xi32, #tpu.memory_space<vmem>>) semaphore(%arg7 : memref<!tpu.dma_semaphore, #tpu.memory_space<semaphore_mem>>)
    %dma_start3A_67 = arith.constant 5 : i32
    %dma_start3A_68 = arith.constant 0 : i32
    %dma_start3A_69 = arith.constant 5 : i32
    %dma_start3A_70 = arith.constant 0 : i32
    %dma_start3A_71 = arith.constant 0 : i32
    %dma_start3A_72 = tpu.memref_slice %arg6[%dma_start3A_68, %dma_start3A_69, %dma_start3A_70, %dma_start3A_71] : memref<4x8x50x64xf32, #tpu.memory_space<vmem>> -> memref<1x1x50x64xf32, #tpu.memory_space<vmem>>
    %dma_start3A_73 = tpu.memref_squeeze %dma_start3A_72 : memref<1x1x50x64xf32, #tpu.memory_space<vmem>> -> memref<50x64xf32, #tpu.memory_space<vmem>>
    %dma_start3A_74 = arith.constant 0 : i32
    %dma_start3A_75 = tpu.memref_slice %arg5[%dma_start3A_67, %dma_start3A_74] : memref<512x50xi32, #tpu.memory_space<vmem>> -> memref<1x50xi32, #tpu.memory_space<vmem>>
    %dma_start3A_76 = tpu.memref_squeeze %dma_start3A_75 : memref<1x50xi32, #tpu.memory_space<vmem>> -> memref<50xi32, #tpu.memory_space<vmem>>
    %dma_start3A_77 = arith.constant 0 : i32
    %dma_start3A_78 = arith.constant 0 : i32
    %dma_start3A_79 = tpu.memref_slice %arg3[%dma_start3A_77, %dma_start3A_78] : memref<1000000x64xf32, #tpu.memory_space<hbm>> -> memref<1000000x64xf32, #tpu.memory_space<hbm>>
    tpu.enqueue_indirect_dma source(%dma_start3A_79 : memref<1000000x64xf32, #tpu.memory_space<hbm>>) target(%dma_start3A_73 : memref<50x64xf32, #tpu.memory_space<vmem>>) offsets(%dma_start3A_76 : memref<50xi32, #tpu.memory_space<vmem>>) semaphore(%arg7 : memref<!tpu.dma_semaphore, #tpu.memory_space<semaphore_mem>>)
    %dma_start3A_80 = arith.constant 6 : i32
    %dma_start3A_81 = arith.constant 0 : i32
    %dma_start3A_82 = arith.constant 6 : i32
    %dma_start3A_83 = arith.constant 0 : i32
    %dma_start3A_84 = arith.constant 0 : i32
    %dma_start3A_85 = tpu.memref_slice %arg6[%dma_start3A_81, %dma_start3A_82, %dma_start3A_83, %dma_start3A_84] : memref<4x8x50x64xf32, #tpu.memory_space<vmem>> -> memref<1x1x50x64xf32, #tpu.memory_space<vmem>>
    %dma_start3A_86 = tpu.memref_squeeze %dma_start3A_85 : memref<1x1x50x64xf32, #tpu.memory_space<vmem>> -> memref<50x64xf32, #tpu.memory_space<vmem>>
    %dma_start3A_87 = arith.constant 0 : i32
    %dma_start3A_88 = tpu.memref_slice %arg5[%dma_start3A_80, %dma_start3A_87] : memref<512x50xi32, #tpu.memory_space<vmem>> -> memref<1x50xi32, #tpu.memory_space<vmem>>
    %dma_start3A_89 = tpu.memref_squeeze %dma_start3A_88 : memref<1x50xi32, #tpu.memory_space<vmem>> -> memref<50xi32, #tpu.memory_space<vmem>>
    %dma_start3A_90 = arith.constant 0 : i32
    %dma_start3A_91 = arith.constant 0 : i32
    %dma_start3A_92 = tpu.memref_slice %arg3[%dma_start3A_90, %dma_start3A_91] : memref<1000000x64xf32, #tpu.memory_space<hbm>> -> memref<1000000x64xf32, #tpu.memory_space<hbm>>
    tpu.enqueue_indirect_dma source(%dma_start3A_92 : memref<1000000x64xf32, #tpu.memory_space<hbm>>) target(%dma_start3A_86 : memref<50x64xf32, #tpu.memory_space<vmem>>) offsets(%dma_start3A_89 : memref<50xi32, #tpu.memory_space<vmem>>) semaphore(%arg7 : memref<!tpu.dma_semaphore, #tpu.memory_space<semaphore_mem>>)
    %dma_start3A_93 = arith.constant 7 : i32
    %dma_start3A_94 = arith.constant 0 : i32
    %dma_start3A_95 = arith.constant 7 : i32
    %dma_start3A_96 = arith.constant 0 : i32
    %dma_start3A_97 = arith.constant 0 : i32
    %dma_start3A_98 = tpu.memref_slice %arg6[%dma_start3A_94, %dma_start3A_95, %dma_start3A_96, %dma_start3A_97] : memref<4x8x50x64xf32, #tpu.memory_space<vmem>> -> memref<1x1x50x64xf32, #tpu.memory_space<vmem>>
    %dma_start3A_99 = tpu.memref_squeeze %dma_start3A_98 : memref<1x1x50x64xf32, #tpu.memory_space<vmem>> -> memref<50x64xf32, #tpu.memory_space<vmem>>
    %dma_start3A_100 = arith.constant 0 : i32
    %dma_start3A_101 = tpu.memref_slice %arg5[%dma_start3A_93, %dma_start3A_100] : memref<512x50xi32, #tpu.memory_space<vmem>> -> memref<1x50xi32, #tpu.memory_space<vmem>>
    %dma_start3A_102 = tpu.memref_squeeze %dma_start3A_101 : memref<1x50xi32, #tpu.memory_space<vmem>> -> memref<50xi32, #tpu.memory_space<vmem>>
    %dma_start3A_103 = arith.constant 0 : i32
    %dma_start3A_104 = arith.constant 0 : i32
    %dma_start3A_105 = tpu.memref_slice %arg3[%dma_start3A_103, %dma_start3A_104] : memref<1000000x64xf32, #tpu.memory_space<hbm>> -> memref<1000000x64xf32, #tpu.memory_space<hbm>>
    tpu.enqueue_indirect_dma source(%dma_start3A_105 : memref<1000000x64xf32, #tpu.memory_space<hbm>>) target(%dma_start3A_99 : memref<50x64xf32, #tpu.memory_space<vmem>>) offsets(%dma_start3A_102 : memref<50xi32, #tpu.memory_space<vmem>>) semaphore(%arg7 : memref<!tpu.dma_semaphore, #tpu.memory_space<semaphore_mem>>)
    %dma_start3A_106 = arith.constant 8 : i32
    %dma_start3A_107 = arith.constant 1 : i32
    %dma_start3A_108 = arith.constant 0 : i32
    %dma_start3A_109 = arith.constant 0 : i32
    %dma_start3A_110 = arith.constant 0 : i32
    %dma_start3A_111 = tpu.memref_slice %arg6[%dma_start3A_107, %dma_start3A_108, %dma_start3A_109, %dma_start3A_110] : memref<4x8x50x64xf32, #tpu.memory_space<vmem>> -> memref<1x1x50x64xf32, #tpu.memory_space<vmem>>
    %dma_start3A_112 = tpu.memref_squeeze %dma_start3A_111 : memref<1x1x50x64xf32, #tpu.memory_space<vmem>> -> memref<50x64xf32, #tpu.memory_space<vmem>>
    %dma_start3A_113 = arith.constant 0 : i32
    %dma_start3A_114 = tpu.memref_slice %arg5[%dma_start3A_106, %dma_start3A_113] : memref<512x50xi32, #tpu.memory_space<vmem>> -> memref<1x50xi32, #tpu.memory_space<vmem>>
    %dma_start3A_115 = tpu.memref_squeeze %dma_start3A_114 : memref<1x50xi32, #tpu.memory_space<vmem>> -> memref<50xi32, #tpu.memory_space<vmem>>
    %dma_start3A_116 = arith.constant 0 : i32
    %dma_start3A_117 = arith.constant 0 : i32
    %dma_start3A_118 = tpu.memref_slice %arg3[%dma_start3A_116, %dma_start3A_117] : memref<1000000x64xf32, #tpu.memory_space<hbm>> -> memref<1000000x64xf32, #tpu.memory_space<hbm>>
    tpu.enqueue_indirect_dma source(%dma_start3A_118 : memref<1000000x64xf32, #tpu.memory_space<hbm>>) target(%dma_start3A_112 : memref<50x64xf32, #tpu.memory_space<vmem>>) offsets(%dma_start3A_115 : memref<50xi32, #tpu.memory_space<vmem>>) semaphore(%arg7 : memref<!tpu.dma_semaphore, #tpu.memory_space<semaphore_mem>>)
    %dma_start3A_119 = arith.constant 9 : i32
    %dma_start3A_120 = arith.constant 1 : i32
    %dma_start3A_121 = arith.constant 1 : i32
    %dma_start3A_122 = arith.constant 0 : i32
    %dma_start3A_123 = arith.constant 0 : i32
    %dma_start3A_124 = tpu.memref_slice %arg6[%dma_start3A_120, %dma_start3A_121, %dma_start3A_122, %dma_start3A_123] : memref<4x8x50x64xf32, #tpu.memory_space<vmem>> -> memref<1x1x50x64xf32, #tpu.memory_space<vmem>>
    %dma_start3A_125 = tpu.memref_squeeze %dma_start3A_124 : memref<1x1x50x64xf32, #tpu.memory_space<vmem>> -> memref<50x64xf32, #tpu.memory_space<vmem>>
    %dma_start3A_126 = arith.constant 0 : i32
    %dma_start3A_127 = tpu.memref_slice %arg5[%dma_start3A_119, %dma_start3A_126] : memref<512x50xi32, #tpu.memory_space<vmem>> -> memref<1x50xi32, #tpu.memory_space<vmem>>
    %dma_start3A_128 = tpu.memref_squeeze %dma_start3A_127 : memref<1x50xi32, #tpu.memory_space<vmem>> -> memref<50xi32, #tpu.memory_space<vmem>>
    %dma_start3A_129 = arith.constant 0 : i32
    %dma_start3A_130 = arith.constant 0 : i32
    %dma_start3A_131 = tpu.memref_slice %arg3[%dma_start3A_129, %dma_start3A_130] : memref<1000000x64xf32, #tpu.memory_space<hbm>> -> memref<1000000x64xf32, #tpu.memory_space<hbm>>
    tpu.enqueue_indirect_dma source(%dma_start3A_131 : memref<1000000x64xf32, #tpu.memory_space<hbm>>) target(%dma_start3A_125 : memref<50x64xf32, #tpu.memory_space<vmem>>) offsets(%dma_start3A_128 : memref<50xi32, #tpu.memory_space<vmem>>) semaphore(%arg7 : memref<!tpu.dma_semaphore, #tpu.memory_space<semaphore_mem>>)
    %dma_start3A_132 = arith.constant 10 : i32
    %dma_start3A_133 = arith.constant 1 : i32
    %dma_start3A_134 = arith.constant 2 : i32
    %dma_start3A_135 = arith.constant 0 : i32
    %dma_start3A_136 = arith.constant 0 : i32
    %dma_start3A_137 = tpu.memref_slice %arg6[%dma_start3A_133, %dma_start3A_134, %dma_start3A_135, %dma_start3A_136] : memref<4x8x50x64xf32, #tpu.memory_space<vmem>> -> memref<1x1x50x64xf32, #tpu.memory_space<vmem>>
    %dma_start3A_138 = tpu.memref_squeeze %dma_start3A_137 : memref<1x1x50x64xf32, #tpu.memory_space<vmem>> -> memref<50x64xf32, #tpu.memory_space<vmem>>
    %dma_start3A_139 = arith.constant 0 : i32
    %dma_start3A_140 = tpu.memref_slice %arg5[%dma_start3A_132, %dma_start3A_139] : memref<512x50xi32, #tpu.memory_space<vmem>> -> memref<1x50xi32, #tpu.memory_space<vmem>>
    %dma_start3A_141 = tpu.memref_squeeze %dma_start3A_140 : memref<1x50xi32, #tpu.memory_space<vmem>> -> memref<50xi32, #tpu.memory_space<vmem>>
    %dma_start3A_142 = arith.constant 0 : i32
    %dma_start3A_143 = arith.constant 0 : i32
    %dma_start3A_144 = tpu.memref_slice %arg3[%dma_start3A_142, %dma_start3A_143] : memref<1000000x64xf32, #tpu.memory_space<hbm>> -> memref<1000000x64xf32, #tpu.memory_space<hbm>>
    tpu.enqueue_indirect_dma source(%dma_start3A_144 : memref<1000000x64xf32, #tpu.memory_space<hbm>>) target(%dma_start3A_138 : memref<50x64xf32, #tpu.memory_space<vmem>>) offsets(%dma_start3A_141 : memref<50xi32, #tpu.memory_space<vmem>>) semaphore(%arg7 : memref<!tpu.dma_semaphore, #tpu.memory_space<semaphore_mem>>)
    %dma_start3A_145 = arith.constant 11 : i32
    %dma_start3A_146 = arith.constant 1 : i32
    %dma_start3A_147 = arith.constant 3 : i32
    %dma_start3A_148 = arith.constant 0 : i32
    %dma_start3A_149 = arith.constant 0 : i32
    %dma_start3A_150 = tpu.memref_slice %arg6[%dma_start3A_146, %dma_start3A_147, %dma_start3A_148, %dma_start3A_149] : memref<4x8x50x64xf32, #tpu.memory_space<vmem>> -> memref<1x1x50x64xf32, #tpu.memory_space<vmem>>
    %dma_start3A_151 = tpu.memref_squeeze %dma_start3A_150 : memref<1x1x50x64xf32, #tpu.memory_space<vmem>> -> memref<50x64xf32, #tpu.memory_space<vmem>>
    %dma_start3A_152 = arith.constant 0 : i32
    %dma_start3A_153 = tpu.memref_slice %arg5[%dma_start3A_145, %dma_start3A_152] : memref<512x50xi32, #tpu.memory_space<vmem>> -> memref<1x50xi32, #tpu.memory_space<vmem>>
    %dma_start3A_154 = tpu.memref_squeeze %dma_start3A_153 : memref<1x50xi32, #tpu.memory_space<vmem>> -> memref<50xi32, #tpu.memory_space<vmem>>
    %dma_start3A_155 = arith.constant 0 : i32
    %dma_start3A_156 = arith.constant 0 : i32
    %dma_start3A_157 = tpu.memref_slice %arg3[%dma_start3A_155, %dma_start3A_156] : memref<1000000x64xf32, #tpu.memory_space<hbm>> -> memref<1000000x64xf32, #tpu.memory_space<hbm>>
    tpu.enqueue_indirect_dma source(%dma_start3A_157 : memref<1000000x64xf32, #tpu.memory_space<hbm>>) target(%dma_start3A_151 : memref<50x64xf32, #tpu.memory_space<vmem>>) offsets(%dma_start3A_154 : memref<50xi32, #tpu.memory_space<vmem>>) semaphore(%arg7 : memref<!tpu.dma_semaphore, #tpu.memory_space<semaphore_mem>>)
    %dma_start3A_158 = arith.constant 12 : i32
    %dma_start3A_159 = arith.constant 1 : i32
    %dma_start3A_160 = arith.constant 4 : i32
    %dma_start3A_161 = arith.constant 0 : i32
    %dma_start3A_162 = arith.constant 0 : i32
    %dma_start3A_163 = tpu.memref_slice %arg6[%dma_start3A_159, %dma_start3A_160, %dma_start3A_161, %dma_start3A_162] : memref<4x8x50x64xf32, #tpu.memory_space<vmem>> -> memref<1x1x50x64xf32, #tpu.memory_space<vmem>>
    %dma_start3A_164 = tpu.memref_squeeze %dma_start3A_163 : memref<1x1x50x64xf32, #tpu.memory_space<vmem>> -> memref<50x64xf32, #tpu.memory_space<vmem>>
    %dma_start3A_165 = arith.constant 0 : i32
    %dma_start3A_166 = tpu.memref_slice %arg5[%dma_start3A_158, %dma_start3A_165] : memref<512x50xi32, #tpu.memory_space<vmem>> -> memref<1x50xi32, #tpu.memory_space<vmem>>
    %dma_start3A_167 = tpu.memref_squeeze %dma_start3A_166 : memref<1x50xi32, #tpu.memory_space<vmem>> -> memref<50xi32, #tpu.memory_space<vmem>>
    %dma_start3A_168 = arith.constant 0 : i32
    %dma_start3A_169 = arith.constant 0 : i32
    %dma_start3A_170 = tpu.memref_slice %arg3[%dma_start3A_168, %dma_start3A_169] : memref<1000000x64xf32, #tpu.memory_space<hbm>> -> memref<1000000x64xf32, #tpu.memory_space<hbm>>
    tpu.enqueue_indirect_dma source(%dma_start3A_170 : memref<1000000x64xf32, #tpu.memory_space<hbm>>) target(%dma_start3A_164 : memref<50x64xf32, #tpu.memory_space<vmem>>) offsets(%dma_start3A_167 : memref<50xi32, #tpu.memory_space<vmem>>) semaphore(%arg7 : memref<!tpu.dma_semaphore, #tpu.memory_space<semaphore_mem>>)
    %dma_start3A_171 = arith.constant 13 : i32
    %dma_start3A_172 = arith.constant 1 : i32
    %dma_start3A_173 = arith.constant 5 : i32
    %dma_start3A_174 = arith.constant 0 : i32
    %dma_start3A_175 = arith.constant 0 : i32
    %dma_start3A_176 = tpu.memref_slice %arg6[%dma_start3A_172, %dma_start3A_173, %dma_start3A_174, %dma_start3A_175] : memref<4x8x50x64xf32, #tpu.memory_space<vmem>> -> memref<1x1x50x64xf32, #tpu.memory_space<vmem>>
    %dma_start3A_177 = tpu.memref_squeeze %dma_start3A_176 : memref<1x1x50x64xf32, #tpu.memory_space<vmem>> -> memref<50x64xf32, #tpu.memory_space<vmem>>
    %dma_start3A_178 = arith.constant 0 : i32
    %dma_start3A_179 = tpu.memref_slice %arg5[%dma_start3A_171, %dma_start3A_178] : memref<512x50xi32, #tpu.memory_space<vmem>> -> memref<1x50xi32, #tpu.memory_space<vmem>>
    %dma_start3A_180 = tpu.memref_squeeze %dma_start3A_179 : memref<1x50xi32, #tpu.memory_space<vmem>> -> memref<50xi32, #tpu.memory_space<vmem>>
    %dma_start3A_181 = arith.constant 0 : i32
    %dma_start3A_182 = arith.constant 0 : i32
    %dma_start3A_183 = tpu.memref_slice %arg3[%dma_start3A_181, %dma_start3A_182] : memref<1000000x64xf32, #tpu.memory_space<hbm>> -> memref<1000000x64xf32, #tpu.memory_space<hbm>>
    tpu.enqueue_indirect_dma source(%dma_start3A_183 : memref<1000000x64xf32, #tpu.memory_space<hbm>>) target(%dma_start3A_177 : memref<50x64xf32, #tpu.memory_space<vmem>>) offsets(%dma_start3A_180 : memref<50xi32, #tpu.memory_space<vmem>>) semaphore(%arg7 : memref<!tpu.dma_semaphore, #tpu.memory_space<semaphore_mem>>)
    %dma_start3A_184 = arith.constant 14 : i32
    %dma_start3A_185 = arith.constant 1 : i32
    %dma_start3A_186 = arith.constant 6 : i32
    %dma_start3A_187 = arith.constant 0 : i32
    %dma_start3A_188 = arith.constant 0 : i32
    %dma_start3A_189 = tpu.memref_slice %arg6[%dma_start3A_185, %dma_start3A_186, %dma_start3A_187, %dma_start3A_188] : memref<4x8x50x64xf32, #tpu.memory_space<vmem>> -> memref<1x1x50x64xf32, #tpu.memory_space<vmem>>
    %dma_start3A_190 = tpu.memref_squeeze %dma_start3A_189 : memref<1x1x50x64xf32, #tpu.memory_space<vmem>> -> memref<50x64xf32, #tpu.memory_space<vmem>>
    %dma_start3A_191 = arith.constant 0 : i32
    %dma_start3A_192 = tpu.memref_slice %arg5[%dma_start3A_184, %dma_start3A_191] : memref<512x50xi32, #tpu.memory_space<vmem>> -> memref<1x50xi32, #tpu.memory_space<vmem>>
    %dma_start3A_193 = tpu.memref_squeeze %dma_start3A_192 : memref<1x50xi32, #tpu.memory_space<vmem>> -> memref<50xi32, #tpu.memory_space<vmem>>
    %dma_start3A_194 = arith.constant 0 : i32
    %dma_start3A_195 = arith.constant 0 : i32
    %dma_start3A_196 = tpu.memref_slice %arg3[%dma_start3A_194, %dma_start3A_195] : memref<1000000x64xf32, #tpu.memory_space<hbm>> -> memref<1000000x64xf32, #tpu.memory_space<hbm>>
    tpu.enqueue_indirect_dma source(%dma_start3A_196 : memref<1000000x64xf32, #tpu.memory_space<hbm>>) target(%dma_start3A_190 : memref<50x64xf32, #tpu.memory_space<vmem>>) offsets(%dma_start3A_193 : memref<50xi32, #tpu.memory_space<vmem>>) semaphore(%arg7 : memref<!tpu.dma_semaphore, #tpu.memory_space<semaphore_mem>>)
    %dma_start3A_197 = arith.constant 15 : i32
    %dma_start3A_198 = arith.constant 1 : i32
    %dma_start3A_199 = arith.constant 7 : i32
    %dma_start3A_200 = arith.constant 0 : i32
    %dma_start3A_201 = arith.constant 0 : i32
    %dma_start3A_202 = tpu.memref_slice %arg6[%dma_start3A_198, %dma_start3A_199, %dma_start3A_200, %dma_start3A_201] : memref<4x8x50x64xf32, #tpu.memory_space<vmem>> -> memref<1x1x50x64xf32, #tpu.memory_space<vmem>>
    %dma_start3A_203 = tpu.memref_squeeze %dma_start3A_202 : memref<1x1x50x64xf32, #tpu.memory_space<vmem>> -> memref<50x64xf32, #tpu.memory_space<vmem>>
    %dma_start3A_204 = arith.constant 0 : i32
    %dma_start3A_205 = tpu.memref_slice %arg5[%dma_start3A_197, %dma_start3A_204] : memref<512x50xi32, #tpu.memory_space<vmem>> -> memref<1x50xi32, #tpu.memory_space<vmem>>
    %dma_start3A_206 = tpu.memref_squeeze %dma_start3A_205 : memref<1x50xi32, #tpu.memory_space<vmem>> -> memref<50xi32, #tpu.memory_space<vmem>>
    %dma_start3A_207 = arith.constant 0 : i32
    %dma_start3A_208 = arith.constant 0 : i32
    %dma_start3A_209 = tpu.memref_slice %arg3[%dma_start3A_207, %dma_start3A_208] : memref<1000000x64xf32, #tpu.memory_space<hbm>> -> memref<1000000x64xf32, #tpu.memory_space<hbm>>
    tpu.enqueue_indirect_dma source(%dma_start3A_209 : memref<1000000x64xf32, #tpu.memory_space<hbm>>) target(%dma_start3A_203 : memref<50x64xf32, #tpu.memory_space<vmem>>) offsets(%dma_start3A_206 : memref<50xi32, #tpu.memory_space<vmem>>) semaphore(%arg7 : memref<!tpu.dma_semaphore, #tpu.memory_space<semaphore_mem>>)
    %scan3A = arith.constant 0 : i32
    %scan3A_210 = arith.constant 0 : i32
    %scan3A_211 = arith.constant 64 : i32
    %scan3A_212 = arith.addi %scan3A_210, %scan3A_211 : i32
    %scan3A_213 = arith.constant 1 : i32
    scf.for %scan3A_252 = %scan3A_210 to %scan3A_212 step %scan3A_213  : i32 {
      %rem3A = arith.constant 4 : i32
      %rem3A_253 = arith.remsi %scan3A_252, %rem3A : i32
      %mul3A_254 = arith.constant 8 : i32
      %mul3A_255 = arith.muli %scan3A_252, %mul3A_254 : i32
      %add3A_256 = arith.constant 0 : i32
      %add3A_257 = arith.addi %mul3A_255, %add3A_256 : i32
      %dma_wait3A_258 = arith.constant 0 : i32
      %dma_wait3A_259 = arith.constant 0 : i32
      %dma_wait3A_260 = arith.constant 0 : i32
      %dma_wait3A_261 = tpu.memref_slice %arg6[%rem3A_253, %dma_wait3A_258, %dma_wait3A_259, %dma_wait3A_260] : memref<4x8x50x64xf32, #tpu.memory_space<vmem>> -> memref<1x1x50x64xf32, #tpu.memory_space<vmem>>
      %dma_wait3A_262 = tpu.memref_squeeze %dma_wait3A_261 : memref<1x1x50x64xf32, #tpu.memory_space<vmem>> -> memref<50x64xf32, #tpu.memory_space<vmem>>
      %dma_wait3A_263 = arith.constant 0 : i32
      %dma_wait3A_264 = tpu.memref_slice %arg5[%add3A_257, %dma_wait3A_263] : memref<512x50xi32, #tpu.memory_space<vmem>> -> memref<1x50xi32, #tpu.memory_space<vmem>>
      %dma_wait3A_265 = tpu.memref_squeeze %dma_wait3A_264 : memref<1x50xi32, #tpu.memory_space<vmem>> -> memref<50xi32, #tpu.memory_space<vmem>>
      %dma_wait3A_266 = arith.constant 0 : i32
      %dma_wait3A_267 = arith.constant 0 : i32
      %dma_wait3A_268 = tpu.memref_slice %arg3[%dma_wait3A_266, %dma_wait3A_267] : memref<1000000x64xf32, #tpu.memory_space<hbm>> -> memref<1000000x64xf32, #tpu.memory_space<hbm>>
      tpu.wait_indirect_dma semaphore(%arg7 : memref<!tpu.dma_semaphore, #tpu.memory_space<semaphore_mem>>) src(%dma_wait3A_268 : memref<1000000x64xf32, #tpu.memory_space<hbm>>) dst(%dma_wait3A_262 : memref<50x64xf32, #tpu.memory_space<vmem>>)
      %mul3A_269 = arith.constant 8 : i32
      %mul3A_270 = arith.muli %scan3A_252, %mul3A_269 : i32
      %add3A_271 = arith.constant 1 : i32
      %add3A_272 = arith.addi %mul3A_270, %add3A_271 : i32
      %dma_wait3A_273 = arith.constant 1 : i32
      %dma_wait3A_274 = arith.constant 0 : i32
      %dma_wait3A_275 = arith.constant 0 : i32
      %dma_wait3A_276 = tpu.memref_slice %arg6[%rem3A_253, %dma_wait3A_273, %dma_wait3A_274, %dma_wait3A_275] : memref<4x8x50x64xf32, #tpu.memory_space<vmem>> -> memref<1x1x50x64xf32, #tpu.memory_space<vmem>>
      %dma_wait3A_277 = tpu.memref_squeeze %dma_wait3A_276 : memref<1x1x50x64xf32, #tpu.memory_space<vmem>> -> memref<50x64xf32, #tpu.memory_space<vmem>>
      %dma_wait3A_278 = arith.constant 0 : i32
      %dma_wait3A_279 = tpu.memref_slice %arg5[%add3A_272, %dma_wait3A_278] : memref<512x50xi32, #tpu.memory_space<vmem>> -> memref<1x50xi32, #tpu.memory_space<vmem>>
      %dma_wait3A_280 = tpu.memref_squeeze %dma_wait3A_279 : memref<1x50xi32, #tpu.memory_space<vmem>> -> memref<50xi32, #tpu.memory_space<vmem>>
      %dma_wait3A_281 = arith.constant 0 : i32
      %dma_wait3A_282 = arith.constant 0 : i32
      %dma_wait3A_283 = tpu.memref_slice %arg3[%dma_wait3A_281, %dma_wait3A_282] : memref<1000000x64xf32, #tpu.memory_space<hbm>> -> memref<1000000x64xf32, #tpu.memory_space<hbm>>
      tpu.wait_indirect_dma semaphore(%arg7 : memref<!tpu.dma_semaphore, #tpu.memory_space<semaphore_mem>>) src(%dma_wait3A_283 : memref<1000000x64xf32, #tpu.memory_space<hbm>>) dst(%dma_wait3A_277 : memref<50x64xf32, #tpu.memory_space<vmem>>)
      %mul3A_284 = arith.constant 8 : i32
      %mul3A_285 = arith.muli %scan3A_252, %mul3A_284 : i32
      %add3A_286 = arith.constant 2 : i32
      %add3A_287 = arith.addi %mul3A_285, %add3A_286 : i32
      %dma_wait3A_288 = arith.constant 2 : i32
      %dma_wait3A_289 = arith.constant 0 : i32
      %dma_wait3A_290 = arith.constant 0 : i32
      %dma_wait3A_291 = tpu.memref_slice %arg6[%rem3A_253, %dma_wait3A_288, %dma_wait3A_289, %dma_wait3A_290] : memref<4x8x50x64xf32, #tpu.memory_space<vmem>> -> memref<1x1x50x64xf32, #tpu.memory_space<vmem>>
      %dma_wait3A_292 = tpu.memref_squeeze %dma_wait3A_291 : memref<1x1x50x64xf32, #tpu.memory_space<vmem>> -> memref<50x64xf32, #tpu.memory_space<vmem>>
      %dma_wait3A_293 = arith.constant 0 : i32
      %dma_wait3A_294 = tpu.memref_slice %arg5[%add3A_287, %dma_wait3A_293] : memref<512x50xi32, #tpu.memory_space<vmem>> -> memref<1x50xi32, #tpu.memory_space<vmem>>
      %dma_wait3A_295 = tpu.memref_squeeze %dma_wait3A_294 : memref<1x50xi32, #tpu.memory_space<vmem>> -> memref<50xi32, #tpu.memory_space<vmem>>
      %dma_wait3A_296 = arith.constant 0 : i32
      %dma_wait3A_297 = arith.constant 0 : i32
      %dma_wait3A_298 = tpu.memref_slice %arg3[%dma_wait3A_296, %dma_wait3A_297] : memref<1000000x64xf32, #tpu.memory_space<hbm>> -> memref<1000000x64xf32, #tpu.memory_space<hbm>>
      tpu.wait_indirect_dma semaphore(%arg7 : memref<!tpu.dma_semaphore, #tpu.memory_space<semaphore_mem>>) src(%dma_wait3A_298 : memref<1000000x64xf32, #tpu.memory_space<hbm>>) dst(%dma_wait3A_292 : memref<50x64xf32, #tpu.memory_space<vmem>>)
      %mul3A_299 = arith.constant 8 : i32
      %mul3A_300 = arith.muli %scan3A_252, %mul3A_299 : i32
      %add3A_301 = arith.constant 3 : i32
      %add3A_302 = arith.addi %mul3A_300, %add3A_301 : i32
      %dma_wait3A_303 = arith.constant 3 : i32
      %dma_wait3A_304 = arith.constant 0 : i32
      %dma_wait3A_305 = arith.constant 0 : i32
      %dma_wait3A_306 = tpu.memref_slice %arg6[%rem3A_253, %dma_wait3A_303, %dma_wait3A_304, %dma_wait3A_305] : memref<4x8x50x64xf32, #tpu.memory_space<vmem>> -> memref<1x1x50x64xf32, #tpu.memory_space<vmem>>
      %dma_wait3A_307 = tpu.memref_squeeze %dma_wait3A_306 : memref<1x1x50x64xf32, #tpu.memory_space<vmem>> -> memref<50x64xf32, #tpu.memory_space<vmem>>
      %dma_wait3A_308 = arith.constant 0 : i32
      %dma_wait3A_309 = tpu.memref_slice %arg5[%add3A_302, %dma_wait3A_308] : memref<512x50xi32, #tpu.memory_space<vmem>> -> memref<1x50xi32, #tpu.memory_space<vmem>>
      %dma_wait3A_310 = tpu.memref_squeeze %dma_wait3A_309 : memref<1x50xi32, #tpu.memory_space<vmem>> -> memref<50xi32, #tpu.memory_space<vmem>>
      %dma_wait3A_311 = arith.constant 0 : i32
      %dma_wait3A_312 = arith.constant 0 : i32
      %dma_wait3A_313 = tpu.memref_slice %arg3[%dma_wait3A_311, %dma_wait3A_312] : memref<1000000x64xf32, #tpu.memory_space<hbm>> -> memref<1000000x64xf32, #tpu.memory_space<hbm>>
      tpu.wait_indirect_dma semaphore(%arg7 : memref<!tpu.dma_semaphore, #tpu.memory_space<semaphore_mem>>) src(%dma_wait3A_313 : memref<1000000x64xf32, #tpu.memory_space<hbm>>) dst(%dma_wait3A_307 : memref<50x64xf32, #tpu.memory_space<vmem>>)
      %mul3A_314 = arith.constant 8 : i32
      %mul3A_315 = arith.muli %scan3A_252, %mul3A_314 : i32
      %add3A_316 = arith.constant 4 : i32
      %add3A_317 = arith.addi %mul3A_315, %add3A_316 : i32
      %dma_wait3A_318 = arith.constant 4 : i32
      %dma_wait3A_319 = arith.constant 0 : i32
      %dma_wait3A_320 = arith.constant 0 : i32
      %dma_wait3A_321 = tpu.memref_slice %arg6[%rem3A_253, %dma_wait3A_318, %dma_wait3A_319, %dma_wait3A_320] : memref<4x8x50x64xf32, #tpu.memory_space<vmem>> -> memref<1x1x50x64xf32, #tpu.memory_space<vmem>>
      %dma_wait3A_322 = tpu.memref_squeeze %dma_wait3A_321 : memref<1x1x50x64xf32, #tpu.memory_space<vmem>> -> memref<50x64xf32, #tpu.memory_space<vmem>>
      %dma_wait3A_323 = arith.constant 0 : i32
      %dma_wait3A_324 = tpu.memref_slice %arg5[%add3A_317, %dma_wait3A_323] : memref<512x50xi32, #tpu.memory_space<vmem>> -> memref<1x50xi32, #tpu.memory_space<vmem>>
      %dma_wait3A_325 = tpu.memref_squeeze %dma_wait3A_324 : memref<1x50xi32, #tpu.memory_space<vmem>> -> memref<50xi32, #tpu.memory_space<vmem>>
      %dma_wait3A_326 = arith.constant 0 : i32
      %dma_wait3A_327 = arith.constant 0 : i32
      %dma_wait3A_328 = tpu.memref_slice %arg3[%dma_wait3A_326, %dma_wait3A_327] : memref<1000000x64xf32, #tpu.memory_space<hbm>> -> memref<1000000x64xf32, #tpu.memory_space<hbm>>
      tpu.wait_indirect_dma semaphore(%arg7 : memref<!tpu.dma_semaphore, #tpu.memory_space<semaphore_mem>>) src(%dma_wait3A_328 : memref<1000000x64xf32, #tpu.memory_space<hbm>>) dst(%dma_wait3A_322 : memref<50x64xf32, #tpu.memory_space<vmem>>)
      %mul3A_329 = arith.constant 8 : i32
      %mul3A_330 = arith.muli %scan3A_252, %mul3A_329 : i32
      %add3A_331 = arith.constant 5 : i32
      %add3A_332 = arith.addi %mul3A_330, %add3A_331 : i32
      %dma_wait3A_333 = arith.constant 5 : i32
      %dma_wait3A_334 = arith.constant 0 : i32
      %dma_wait3A_335 = arith.constant 0 : i32
      %dma_wait3A_336 = tpu.memref_slice %arg6[%rem3A_253, %dma_wait3A_333, %dma_wait3A_334, %dma_wait3A_335] : memref<4x8x50x64xf32, #tpu.memory_space<vmem>> -> memref<1x1x50x64xf32, #tpu.memory_space<vmem>>
      %dma_wait3A_337 = tpu.memref_squeeze %dma_wait3A_336 : memref<1x1x50x64xf32, #tpu.memory_space<vmem>> -> memref<50x64xf32, #tpu.memory_space<vmem>>
      %dma_wait3A_338 = arith.constant 0 : i32
      %dma_wait3A_339 = tpu.memref_slice %arg5[%add3A_332, %dma_wait3A_338] : memref<512x50xi32, #tpu.memory_space<vmem>> -> memref<1x50xi32, #tpu.memory_space<vmem>>
      %dma_wait3A_340 = tpu.memref_squeeze %dma_wait3A_339 : memref<1x50xi32, #tpu.memory_space<vmem>> -> memref<50xi32, #tpu.memory_space<vmem>>
      %dma_wait3A_341 = arith.constant 0 : i32
      %dma_wait3A_342 = arith.constant 0 : i32
      %dma_wait3A_343 = tpu.memref_slice %arg3[%dma_wait3A_341, %dma_wait3A_342] : memref<1000000x64xf32, #tpu.memory_space<hbm>> -> memref<1000000x64xf32, #tpu.memory_space<hbm>>
      tpu.wait_indirect_dma semaphore(%arg7 : memref<!tpu.dma_semaphore, #tpu.memory_space<semaphore_mem>>) src(%dma_wait3A_343 : memref<1000000x64xf32, #tpu.memory_space<hbm>>) dst(%dma_wait3A_337 : memref<50x64xf32, #tpu.memory_space<vmem>>)
      %mul3A_344 = arith.constant 8 : i32
      %mul3A_345 = arith.muli %scan3A_252, %mul3A_344 : i32
      %add3A_346 = arith.constant 6 : i32
      %add3A_347 = arith.addi %mul3A_345, %add3A_346 : i32
      %dma_wait3A_348 = arith.constant 6 : i32
      %dma_wait3A_349 = arith.constant 0 : i32
      %dma_wait3A_350 = arith.constant 0 : i32
      %dma_wait3A_351 = tpu.memref_slice %arg6[%rem3A_253, %dma_wait3A_348, %dma_wait3A_349, %dma_wait3A_350] : memref<4x8x50x64xf32, #tpu.memory_space<vmem>> -> memref<1x1x50x64xf32, #tpu.memory_space<vmem>>
      %dma_wait3A_352 = tpu.memref_squeeze %dma_wait3A_351 : memref<1x1x50x64xf32, #tpu.memory_space<vmem>> -> memref<50x64xf32, #tpu.memory_space<vmem>>
      %dma_wait3A_353 = arith.constant 0 : i32
      %dma_wait3A_354 = tpu.memref_slice %arg5[%add3A_347, %dma_wait3A_353] : memref<512x50xi32, #tpu.memory_space<vmem>> -> memref<1x50xi32, #tpu.memory_space<vmem>>
      %dma_wait3A_355 = tpu.memref_squeeze %dma_wait3A_354 : memref<1x50xi32, #tpu.memory_space<vmem>> -> memref<50xi32, #tpu.memory_space<vmem>>
      %dma_wait3A_356 = arith.constant 0 : i32
      %dma_wait3A_357 = arith.constant 0 : i32
      %dma_wait3A_358 = tpu.memref_slice %arg3[%dma_wait3A_356, %dma_wait3A_357] : memref<1000000x64xf32, #tpu.memory_space<hbm>> -> memref<1000000x64xf32, #tpu.memory_space<hbm>>
      tpu.wait_indirect_dma semaphore(%arg7 : memref<!tpu.dma_semaphore, #tpu.memory_space<semaphore_mem>>) src(%dma_wait3A_358 : memref<1000000x64xf32, #tpu.memory_space<hbm>>) dst(%dma_wait3A_352 : memref<50x64xf32, #tpu.memory_space<vmem>>)
      %mul3A_359 = arith.constant 8 : i32
      %mul3A_360 = arith.muli %scan3A_252, %mul3A_359 : i32
      %add3A_361 = arith.constant 7 : i32
      %add3A_362 = arith.addi %mul3A_360, %add3A_361 : i32
      %dma_wait3A_363 = arith.constant 7 : i32
      %dma_wait3A_364 = arith.constant 0 : i32
      %dma_wait3A_365 = arith.constant 0 : i32
      %dma_wait3A_366 = tpu.memref_slice %arg6[%rem3A_253, %dma_wait3A_363, %dma_wait3A_364, %dma_wait3A_365] : memref<4x8x50x64xf32, #tpu.memory_space<vmem>> -> memref<1x1x50x64xf32, #tpu.memory_space<vmem>>
      %dma_wait3A_367 = tpu.memref_squeeze %dma_wait3A_366 : memref<1x1x50x64xf32, #tpu.memory_space<vmem>> -> memref<50x64xf32, #tpu.memory_space<vmem>>
      %dma_wait3A_368 = arith.constant 0 : i32
      %dma_wait3A_369 = tpu.memref_slice %arg5[%add3A_362, %dma_wait3A_368] : memref<512x50xi32, #tpu.memory_space<vmem>> -> memref<1x50xi32, #tpu.memory_space<vmem>>
      %dma_wait3A_370 = tpu.memref_squeeze %dma_wait3A_369 : memref<1x50xi32, #tpu.memory_space<vmem>> -> memref<50xi32, #tpu.memory_space<vmem>>
      %dma_wait3A_371 = arith.constant 0 : i32
      %dma_wait3A_372 = arith.constant 0 : i32
      %dma_wait3A_373 = tpu.memref_slice %arg3[%dma_wait3A_371, %dma_wait3A_372] : memref<1000000x64xf32, #tpu.memory_space<hbm>> -> memref<1000000x64xf32, #tpu.memory_space<hbm>>
      tpu.wait_indirect_dma semaphore(%arg7 : memref<!tpu.dma_semaphore, #tpu.memory_space<semaphore_mem>>) src(%dma_wait3A_373 : memref<1000000x64xf32, #tpu.memory_space<hbm>>) dst(%dma_wait3A_367 : memref<50x64xf32, #tpu.memory_space<vmem>>)
      %ge3A = arith.constant 2 : i32
      %ge3A_374 = arith.cmpi sge, %scan3A_252, %ge3A : i32
      %convert_element_type3A = arith.extui %ge3A_374 : i1 to i32
      %cond3A = arith.constant 0 : i32
      %cond3A_375 = arith.cmpi ne, %convert_element_type3A, %cond3A : i32
      scf.if %cond3A_375 {
        %add3A_401 = arith.constant 2 : i32
        %add3A_402 = arith.addi %scan3A_252, %add3A_401 : i32
        %sub3A = arith.constant 4 : i32
        %sub3A_403 = arith.subi %add3A_402, %sub3A : i32
        %add3A_404 = arith.constant 2 : i32
        %add3A_405 = arith.addi %scan3A_252, %add3A_404 : i32
        %rem3A_406 = arith.constant 4 : i32
        %rem3A_407 = arith.remsi %add3A_405, %rem3A_406 : i32
        %mul3A_408 = arith.constant 8 : i32
        %mul3A_409 = arith.muli %sub3A_403, %mul3A_408 : i32
        %add3A_410 = arith.addi %mul3A_2, %mul3A_409 : i32
        %dma_wait3A_411 = arith.constant 0 : i32
        %dma_wait3A_412 = arith.constant 0 : i32
        %dma_wait3A_413 = arith.constant 0 : i32
        %dma_wait3A_414 = tpu.memref_slice %arg6[%rem3A_407, %dma_wait3A_411, %dma_wait3A_412, %dma_wait3A_413] : memref<4x8x50x64xf32, #tpu.memory_space<vmem>> -> memref<1x8x50x64xf32, #tpu.memory_space<vmem>>
        %dma_wait3A_415 = tpu.memref_squeeze %dma_wait3A_414 : memref<1x8x50x64xf32, #tpu.memory_space<vmem>> -> memref<8x50x64xf32, #tpu.memory_space<vmem>>
        %dma_wait3A_416 = arith.constant 0 : i32
        %dma_wait3A_417 = arith.constant 0 : i32
        %dma_wait3A_418 = tpu.memref_slice %arg4[%add3A_410, %dma_wait3A_416, %dma_wait3A_417] : memref<16384x50x64xf32, #tpu.memory_space<hbm>> -> memref<8x50x64xf32, #tpu.memory_space<hbm>>
        %dma_wait3A_419 = arith.constant 0 : i32
        %dma_wait3A_420 = arith.constant 0 : i32
        %dma_wait3A_421 = tpu.memref_slice %arg4[%add3A_410, %dma_wait3A_419, %dma_wait3A_420] : memref<16384x50x64xf32, #tpu.memory_space<hbm>> -> memref<8x50x64xf32, #tpu.memory_space<hbm>>
        %dma_wait3A_422 = arith.constant 0 : i32
        %dma_wait3A_423 = arith.constant 0 : i32
        %dma_wait3A_424 = arith.constant 0 : i32
        %dma_wait3A_425 = tpu.memref_slice %arg6[%rem3A_407, %dma_wait3A_422, %dma_wait3A_423, %dma_wait3A_424] : memref<4x8x50x64xf32, #tpu.memory_space<vmem>> -> memref<1x8x50x64xf32, #tpu.memory_space<vmem>>
        %dma_wait3A_426 = tpu.memref_squeeze %dma_wait3A_425 : memref<1x8x50x64xf32, #tpu.memory_space<vmem>> -> memref<8x50x64xf32, #tpu.memory_space<vmem>>
        tpu.wait_dma2 semaphore(%arg8 : memref<!tpu.dma_semaphore, #tpu.memory_space<semaphore_mem>>) src(%dma_wait3A_426 : memref<8x50x64xf32, #tpu.memory_space<vmem>>) dst(%dma_wait3A_421 : memref<8x50x64xf32, #tpu.memory_space<hbm>>)
      } else {
      }
      %add3A_376 = arith.constant 2 : i32
      %add3A_377 = arith.addi %scan3A_252, %add3A_376 : i32
      %lt3A = arith.constant 64 : i32
      %lt3A_378 = arith.cmpi slt, %add3A_377, %lt3A : i32
      %convert_element_type3A_379 = arith.extui %lt3A_378 : i1 to i32
      %cond3A_380 = arith.constant 0 : i32
      %cond3A_381 = arith.cmpi ne, %convert_element_type3A_379, %cond3A_380 : i32
      scf.if %cond3A_381 {
        %add3A_401 = arith.constant 2 : i32
        %add3A_402 = arith.addi %scan3A_252, %add3A_401 : i32
        %add3A_403 = arith.constant 2 : i32
        %add3A_404 = arith.addi %scan3A_252, %add3A_403 : i32
        %rem3A_405 = arith.constant 4 : i32
        %rem3A_406 = arith.remsi %add3A_404, %rem3A_405 : i32
        %mul3A_407 = arith.constant 8 : i32
        %mul3A_408 = arith.muli %add3A_402, %mul3A_407 : i32
        %add3A_409 = arith.constant 0 : i32
        %add3A_410 = arith.addi %mul3A_408, %add3A_409 : i32
        %dma_start3A_411 = arith.constant 0 : i32
        %dma_start3A_412 = arith.constant 0 : i32
        %dma_start3A_413 = arith.constant 0 : i32
        %dma_start3A_414 = tpu.memref_slice %arg6[%rem3A_406, %dma_start3A_411, %dma_start3A_412, %dma_start3A_413] : memref<4x8x50x64xf32, #tpu.memory_space<vmem>> -> memref<1x1x50x64xf32, #tpu.memory_space<vmem>>
        %dma_start3A_415 = tpu.memref_squeeze %dma_start3A_414 : memref<1x1x50x64xf32, #tpu.memory_space<vmem>> -> memref<50x64xf32, #tpu.memory_space<vmem>>
        %dma_start3A_416 = arith.constant 0 : i32
        %dma_start3A_417 = tpu.memref_slice %arg5[%add3A_410, %dma_start3A_416] : memref<512x50xi32, #tpu.memory_space<vmem>> -> memref<1x50xi32, #tpu.memory_space<vmem>>
        %dma_start3A_418 = tpu.memref_squeeze %dma_start3A_417 : memref<1x50xi32, #tpu.memory_space<vmem>> -> memref<50xi32, #tpu.memory_space<vmem>>
        %dma_start3A_419 = arith.constant 0 : i32
        %dma_start3A_420 = arith.constant 0 : i32
        %dma_start3A_421 = tpu.memref_slice %arg3[%dma_start3A_419, %dma_start3A_420] : memref<1000000x64xf32, #tpu.memory_space<hbm>> -> memref<1000000x64xf32, #tpu.memory_space<hbm>>
        tpu.enqueue_indirect_dma source(%dma_start3A_421 : memref<1000000x64xf32, #tpu.memory_space<hbm>>) target(%dma_start3A_415 : memref<50x64xf32, #tpu.memory_space<vmem>>) offsets(%dma_start3A_418 : memref<50xi32, #tpu.memory_space<vmem>>) semaphore(%arg7 : memref<!tpu.dma_semaphore, #tpu.memory_space<semaphore_mem>>)
        %mul3A_422 = arith.constant 8 : i32
        %mul3A_423 = arith.muli %add3A_402, %mul3A_422 : i32
        %add3A_424 = arith.constant 1 : i32
        %add3A_425 = arith.addi %mul3A_423, %add3A_424 : i32
        %dma_start3A_426 = arith.constant 1 : i32
        %dma_start3A_427 = arith.constant 0 : i32
        %dma_start3A_428 = arith.constant 0 : i32
        %dma_start3A_429 = tpu.memref_slice %arg6[%rem3A_406, %dma_start3A_426, %dma_start3A_427, %dma_start3A_428] : memref<4x8x50x64xf32, #tpu.memory_space<vmem>> -> memref<1x1x50x64xf32, #tpu.memory_space<vmem>>
        %dma_start3A_430 = tpu.memref_squeeze %dma_start3A_429 : memref<1x1x50x64xf32, #tpu.memory_space<vmem>> -> memref<50x64xf32, #tpu.memory_space<vmem>>
        %dma_start3A_431 = arith.constant 0 : i32
        %dma_start3A_432 = tpu.memref_slice %arg5[%add3A_425, %dma_start3A_431] : memref<512x50xi32, #tpu.memory_space<vmem>> -> memref<1x50xi32, #tpu.memory_space<vmem>>
        %dma_start3A_433 = tpu.memref_squeeze %dma_start3A_432 : memref<1x50xi32, #tpu.memory_space<vmem>> -> memref<50xi32, #tpu.memory_space<vmem>>
        %dma_start3A_434 = arith.constant 0 : i32
        %dma_start3A_435 = arith.constant 0 : i32
        %dma_start3A_436 = tpu.memref_slice %arg3[%dma_start3A_434, %dma_start3A_435] : memref<1000000x64xf32, #tpu.memory_space<hbm>> -> memref<1000000x64xf32, #tpu.memory_space<hbm>>
        tpu.enqueue_indirect_dma source(%dma_start3A_436 : memref<1000000x64xf32, #tpu.memory_space<hbm>>) target(%dma_start3A_430 : memref<50x64xf32, #tpu.memory_space<vmem>>) offsets(%dma_start3A_433 : memref<50xi32, #tpu.memory_space<vmem>>) semaphore(%arg7 : memref<!tpu.dma_semaphore, #tpu.memory_space<semaphore_mem>>)
        %mul3A_437 = arith.constant 8 : i32
        %mul3A_438 = arith.muli %add3A_402, %mul3A_437 : i32
        %add3A_439 = arith.constant 2 : i32
        %add3A_440 = arith.addi %mul3A_438, %add3A_439 : i32
        %dma_start3A_441 = arith.constant 2 : i32
        %dma_start3A_442 = arith.constant 0 : i32
        %dma_start3A_443 = arith.constant 0 : i32
        %dma_start3A_444 = tpu.memref_slice %arg6[%rem3A_406, %dma_start3A_441, %dma_start3A_442, %dma_start3A_443] : memref<4x8x50x64xf32, #tpu.memory_space<vmem>> -> memref<1x1x50x64xf32, #tpu.memory_space<vmem>>
        %dma_start3A_445 = tpu.memref_squeeze %dma_start3A_444 : memref<1x1x50x64xf32, #tpu.memory_space<vmem>> -> memref<50x64xf32, #tpu.memory_space<vmem>>
        %dma_start3A_446 = arith.constant 0 : i32
        %dma_start3A_447 = tpu.memref_slice %arg5[%add3A_440, %dma_start3A_446] : memref<512x50xi32, #tpu.memory_space<vmem>> -> memref<1x50xi32, #tpu.memory_space<vmem>>
        %dma_start3A_448 = tpu.memref_squeeze %dma_start3A_447 : memref<1x50xi32, #tpu.memory_space<vmem>> -> memref<50xi32, #tpu.memory_space<vmem>>
        %dma_start3A_449 = arith.constant 0 : i32
        %dma_start3A_450 = arith.constant 0 : i32
        %dma_start3A_451 = tpu.memref_slice %arg3[%dma_start3A_449, %dma_start3A_450] : memref<1000000x64xf32, #tpu.memory_space<hbm>> -> memref<1000000x64xf32, #tpu.memory_space<hbm>>
        tpu.enqueue_indirect_dma source(%dma_start3A_451 : memref<1000000x64xf32, #tpu.memory_space<hbm>>) target(%dma_start3A_445 : memref<50x64xf32, #tpu.memory_space<vmem>>) offsets(%dma_start3A_448 : memref<50xi32, #tpu.memory_space<vmem>>) semaphore(%arg7 : memref<!tpu.dma_semaphore, #tpu.memory_space<semaphore_mem>>)
        %mul3A_452 = arith.constant 8 : i32
        %mul3A_453 = arith.muli %add3A_402, %mul3A_452 : i32
        %add3A_454 = arith.constant 3 : i32
        %add3A_455 = arith.addi %mul3A_453, %add3A_454 : i32
        %dma_start3A_456 = arith.constant 3 : i32
        %dma_start3A_457 = arith.constant 0 : i32
        %dma_start3A_458 = arith.constant 0 : i32
        %dma_start3A_459 = tpu.memref_slice %arg6[%rem3A_406, %dma_start3A_456, %dma_start3A_457, %dma_start3A_458] : memref<4x8x50x64xf32, #tpu.memory_space<vmem>> -> memref<1x1x50x64xf32, #tpu.memory_space<vmem>>
        %dma_start3A_460 = tpu.memref_squeeze %dma_start3A_459 : memref<1x1x50x64xf32, #tpu.memory_space<vmem>> -> memref<50x64xf32, #tpu.memory_space<vmem>>
        %dma_start3A_461 = arith.constant 0 : i32
        %dma_start3A_462 = tpu.memref_slice %arg5[%add3A_455, %dma_start3A_461] : memref<512x50xi32, #tpu.memory_space<vmem>> -> memref<1x50xi32, #tpu.memory_space<vmem>>
        %dma_start3A_463 = tpu.memref_squeeze %dma_start3A_462 : memref<1x50xi32, #tpu.memory_space<vmem>> -> memref<50xi32, #tpu.memory_space<vmem>>
        %dma_start3A_464 = arith.constant 0 : i32
        %dma_start3A_465 = arith.constant 0 : i32
        %dma_start3A_466 = tpu.memref_slice %arg3[%dma_start3A_464, %dma_start3A_465] : memref<1000000x64xf32, #tpu.memory_space<hbm>> -> memref<1000000x64xf32, #tpu.memory_space<hbm>>
        tpu.enqueue_indirect_dma source(%dma_start3A_466 : memref<1000000x64xf32, #tpu.memory_space<hbm>>) target(%dma_start3A_460 : memref<50x64xf32, #tpu.memory_space<vmem>>) offsets(%dma_start3A_463 : memref<50xi32, #tpu.memory_space<vmem>>) semaphore(%arg7 : memref<!tpu.dma_semaphore, #tpu.memory_space<semaphore_mem>>)
        %mul3A_467 = arith.constant 8 : i32
        %mul3A_468 = arith.muli %add3A_402, %mul3A_467 : i32
        %add3A_469 = arith.constant 4 : i32
        %add3A_470 = arith.addi %mul3A_468, %add3A_469 : i32
        %dma_start3A_471 = arith.constant 4 : i32
        %dma_start3A_472 = arith.constant 0 : i32
        %dma_start3A_473 = arith.constant 0 : i32
        %dma_start3A_474 = tpu.memref_slice %arg6[%rem3A_406, %dma_start3A_471, %dma_start3A_472, %dma_start3A_473] : memref<4x8x50x64xf32, #tpu.memory_space<vmem>> -> memref<1x1x50x64xf32, #tpu.memory_space<vmem>>
        %dma_start3A_475 = tpu.memref_squeeze %dma_start3A_474 : memref<1x1x50x64xf32, #tpu.memory_space<vmem>> -> memref<50x64xf32, #tpu.memory_space<vmem>>
        %dma_start3A_476 = arith.constant 0 : i32
        %dma_start3A_477 = tpu.memref_slice %arg5[%add3A_470, %dma_start3A_476] : memref<512x50xi32, #tpu.memory_space<vmem>> -> memref<1x50xi32, #tpu.memory_space<vmem>>
        %dma_start3A_478 = tpu.memref_squeeze %dma_start3A_477 : memref<1x50xi32, #tpu.memory_space<vmem>> -> memref<50xi32, #tpu.memory_space<vmem>>
        %dma_start3A_479 = arith.constant 0 : i32
        %dma_start3A_480 = arith.constant 0 : i32
        %dma_start3A_481 = tpu.memref_slice %arg3[%dma_start3A_479, %dma_start3A_480] : memref<1000000x64xf32, #tpu.memory_space<hbm>> -> memref<1000000x64xf32, #tpu.memory_space<hbm>>
        tpu.enqueue_indirect_dma source(%dma_start3A_481 : memref<1000000x64xf32, #tpu.memory_space<hbm>>) target(%dma_start3A_475 : memref<50x64xf32, #tpu.memory_space<vmem>>) offsets(%dma_start3A_478 : memref<50xi32, #tpu.memory_space<vmem>>) semaphore(%arg7 : memref<!tpu.dma_semaphore, #tpu.memory_space<semaphore_mem>>)
        %mul3A_482 = arith.constant 8 : i32
        %mul3A_483 = arith.muli %add3A_402, %mul3A_482 : i32
        %add3A_484 = arith.constant 5 : i32
        %add3A_485 = arith.addi %mul3A_483, %add3A_484 : i32
        %dma_start3A_486 = arith.constant 5 : i32
        %dma_start3A_487 = arith.constant 0 : i32
        %dma_start3A_488 = arith.constant 0 : i32
        %dma_start3A_489 = tpu.memref_slice %arg6[%rem3A_406, %dma_start3A_486, %dma_start3A_487, %dma_start3A_488] : memref<4x8x50x64xf32, #tpu.memory_space<vmem>> -> memref<1x1x50x64xf32, #tpu.memory_space<vmem>>
        %dma_start3A_490 = tpu.memref_squeeze %dma_start3A_489 : memref<1x1x50x64xf32, #tpu.memory_space<vmem>> -> memref<50x64xf32, #tpu.memory_space<vmem>>
        %dma_start3A_491 = arith.constant 0 : i32
        %dma_start3A_492 = tpu.memref_slice %arg5[%add3A_485, %dma_start3A_491] : memref<512x50xi32, #tpu.memory_space<vmem>> -> memref<1x50xi32, #tpu.memory_space<vmem>>
        %dma_start3A_493 = tpu.memref_squeeze %dma_start3A_492 : memref<1x50xi32, #tpu.memory_space<vmem>> -> memref<50xi32, #tpu.memory_space<vmem>>
        %dma_start3A_494 = arith.constant 0 : i32
        %dma_start3A_495 = arith.constant 0 : i32
        %dma_start3A_496 = tpu.memref_slice %arg3[%dma_start3A_494, %dma_start3A_495] : memref<1000000x64xf32, #tpu.memory_space<hbm>> -> memref<1000000x64xf32, #tpu.memory_space<hbm>>
        tpu.enqueue_indirect_dma source(%dma_start3A_496 : memref<1000000x64xf32, #tpu.memory_space<hbm>>) target(%dma_start3A_490 : memref<50x64xf32, #tpu.memory_space<vmem>>) offsets(%dma_start3A_493 : memref<50xi32, #tpu.memory_space<vmem>>) semaphore(%arg7 : memref<!tpu.dma_semaphore, #tpu.memory_space<semaphore_mem>>)
        %mul3A_497 = arith.constant 8 : i32
        %mul3A_498 = arith.muli %add3A_402, %mul3A_497 : i32
        %add3A_499 = arith.constant 6 : i32
        %add3A_500 = arith.addi %mul3A_498, %add3A_499 : i32
        %dma_start3A_501 = arith.constant 6 : i32
        %dma_start3A_502 = arith.constant 0 : i32
        %dma_start3A_503 = arith.constant 0 : i32
        %dma_start3A_504 = tpu.memref_slice %arg6[%rem3A_406, %dma_start3A_501, %dma_start3A_502, %dma_start3A_503] : memref<4x8x50x64xf32, #tpu.memory_space<vmem>> -> memref<1x1x50x64xf32, #tpu.memory_space<vmem>>
        %dma_start3A_505 = tpu.memref_squeeze %dma_start3A_504 : memref<1x1x50x64xf32, #tpu.memory_space<vmem>> -> memref<50x64xf32, #tpu.memory_space<vmem>>
        %dma_start3A_506 = arith.constant 0 : i32
        %dma_start3A_507 = tpu.memref_slice %arg5[%add3A_500, %dma_start3A_506] : memref<512x50xi32, #tpu.memory_space<vmem>> -> memref<1x50xi32, #tpu.memory_space<vmem>>
        %dma_start3A_508 = tpu.memref_squeeze %dma_start3A_507 : memref<1x50xi32, #tpu.memory_space<vmem>> -> memref<50xi32, #tpu.memory_space<vmem>>
        %dma_start3A_509 = arith.constant 0 : i32
        %dma_start3A_510 = arith.constant 0 : i32
        %dma_start3A_511 = tpu.memref_slice %arg3[%dma_start3A_509, %dma_start3A_510] : memref<1000000x64xf32, #tpu.memory_space<hbm>> -> memref<1000000x64xf32, #tpu.memory_space<hbm>>
        tpu.enqueue_indirect_dma source(%dma_start3A_511 : memref<1000000x64xf32, #tpu.memory_space<hbm>>) target(%dma_start3A_505 : memref<50x64xf32, #tpu.memory_space<vmem>>) offsets(%dma_start3A_508 : memref<50xi32, #tpu.memory_space<vmem>>) semaphore(%arg7 : memref<!tpu.dma_semaphore, #tpu.memory_space<semaphore_mem>>)
        %mul3A_512 = arith.constant 8 : i32
        %mul3A_513 = arith.muli %add3A_402, %mul3A_512 : i32
        %add3A_514 = arith.constant 7 : i32
        %add3A_515 = arith.addi %mul3A_513, %add3A_514 : i32
        %dma_start3A_516 = arith.constant 7 : i32
        %dma_start3A_517 = arith.constant 0 : i32
        %dma_start3A_518 = arith.constant 0 : i32
        %dma_start3A_519 = tpu.memref_slice %arg6[%rem3A_406, %dma_start3A_516, %dma_start3A_517, %dma_start3A_518] : memref<4x8x50x64xf32, #tpu.memory_space<vmem>> -> memref<1x1x50x64xf32, #tpu.memory_space<vmem>>
        %dma_start3A_520 = tpu.memref_squeeze %dma_start3A_519 : memref<1x1x50x64xf32, #tpu.memory_space<vmem>> -> memref<50x64xf32, #tpu.memory_space<vmem>>
        %dma_start3A_521 = arith.constant 0 : i32
        %dma_start3A_522 = tpu.memref_slice %arg5[%add3A_515, %dma_start3A_521] : memref<512x50xi32, #tpu.memory_space<vmem>> -> memref<1x50xi32, #tpu.memory_space<vmem>>
        %dma_start3A_523 = tpu.memref_squeeze %dma_start3A_522 : memref<1x50xi32, #tpu.memory_space<vmem>> -> memref<50xi32, #tpu.memory_space<vmem>>
        %dma_start3A_524 = arith.constant 0 : i32
        %dma_start3A_525 = arith.constant 0 : i32
        %dma_start3A_526 = tpu.memref_slice %arg3[%dma_start3A_524, %dma_start3A_525] : memref<1000000x64xf32, #tpu.memory_space<hbm>> -> memref<1000000x64xf32, #tpu.memory_space<hbm>>
        tpu.enqueue_indirect_dma source(%dma_start3A_526 : memref<1000000x64xf32, #tpu.memory_space<hbm>>) target(%dma_start3A_520 : memref<50x64xf32, #tpu.memory_space<vmem>>) offsets(%dma_start3A_523 : memref<50xi32, #tpu.memory_space<vmem>>) semaphore(%arg7 : memref<!tpu.dma_semaphore, #tpu.memory_space<semaphore_mem>>)
      } else {
      }
      %mul3A_382 = arith.constant 8 : i32
      %mul3A_383 = arith.muli %scan3A_252, %mul3A_382 : i32
      %add3A_384 = arith.addi %mul3A_2, %mul3A_383 : i32
      %dma_start3A_385 = arith.constant 0 : i32
      %dma_start3A_386 = arith.constant 0 : i32
      %dma_start3A_387 = arith.constant 0 : i32
      %dma_start3A_388 = tpu.memref_slice %arg6[%rem3A_253, %dma_start3A_385, %dma_start3A_386, %dma_start3A_387] : memref<4x8x50x64xf32, #tpu.memory_space<vmem>> -> memref<1x8x50x64xf32, #tpu.memory_space<vmem>>
      %dma_start3A_389 = tpu.memref_squeeze %dma_start3A_388 : memref<1x8x50x64xf32, #tpu.memory_space<vmem>> -> memref<8x50x64xf32, #tpu.memory_space<vmem>>
      %dma_start3A_390 = arith.constant 0 : i32
      %dma_start3A_391 = arith.constant 0 : i32
      %dma_start3A_392 = tpu.memref_slice %arg4[%add3A_384, %dma_start3A_390, %dma_start3A_391] : memref<16384x50x64xf32, #tpu.memory_space<hbm>> -> memref<8x50x64xf32, #tpu.memory_space<hbm>>
      %dma_start3A_393 = arith.constant 0 : i32
      %dma_start3A_394 = arith.constant 0 : i32
      %dma_start3A_395 = tpu.memref_slice %arg4[%add3A_384, %dma_start3A_393, %dma_start3A_394] : memref<16384x50x64xf32, #tpu.memory_space<hbm>> -> memref<8x50x64xf32, #tpu.memory_space<hbm>>
      %dma_start3A_396 = arith.constant 0 : i32
      %dma_start3A_397 = arith.constant 0 : i32
      %dma_start3A_398 = arith.constant 0 : i32
      %dma_start3A_399 = tpu.memref_slice %arg6[%rem3A_253, %dma_start3A_396, %dma_start3A_397, %dma_start3A_398] : memref<4x8x50x64xf32, #tpu.memory_space<vmem>> -> memref<1x8x50x64xf32, #tpu.memory_space<vmem>>
      %dma_start3A_400 = tpu.memref_squeeze %dma_start3A_399 : memref<1x8x50x64xf32, #tpu.memory_space<vmem>> -> memref<8x50x64xf32, #tpu.memory_space<vmem>>
      tpu.enqueue_dma source(%dma_start3A_400 : memref<8x50x64xf32, #tpu.memory_space<vmem>>) target(%dma_start3A_395 : memref<8x50x64xf32, #tpu.memory_space<hbm>>) target_semaphore(%arg8 : memref<!tpu.dma_semaphore, #tpu.memory_space<semaphore_mem>>)
    }
    %scan3A_214 = arith.constant 64 : i32
    %add3A_215 = arith.constant 496 : i32
    %add3A_216 = arith.addi %mul3A_2, %add3A_215 : i32
    %dma_wait3A = arith.constant 0 : i32
    %dma_wait3A_217 = arith.constant 0 : i32
    %dma_wait3A_218 = arith.constant 0 : i32
    %dma_wait3A_219 = arith.constant 0 : i32
    %dma_wait3A_220 = tpu.memref_slice %arg6[%dma_wait3A, %dma_wait3A_217, %dma_wait3A_218, %dma_wait3A_219] : memref<4x8x50x64xf32, #tpu.memory_space<vmem>> -> memref<1x8x50x64xf32, #tpu.memory_space<vmem>>
    %dma_wait3A_221 = tpu.memref_squeeze %dma_wait3A_220 : memref<1x8x50x64xf32, #tpu.memory_space<vmem>> -> memref<8x50x64xf32, #tpu.memory_space<vmem>>
    %dma_wait3A_222 = arith.constant 0 : i32
    %dma_wait3A_223 = arith.constant 0 : i32
    %dma_wait3A_224 = tpu.memref_slice %arg4[%add3A_216, %dma_wait3A_222, %dma_wait3A_223] : memref<16384x50x64xf32, #tpu.memory_space<hbm>> -> memref<8x50x64xf32, #tpu.memory_space<hbm>>
    %dma_wait3A_225 = arith.constant 0 : i32
    %dma_wait3A_226 = arith.constant 0 : i32
    %dma_wait3A_227 = tpu.memref_slice %arg4[%add3A_216, %dma_wait3A_225, %dma_wait3A_226] : memref<16384x50x64xf32, #tpu.memory_space<hbm>> -> memref<8x50x64xf32, #tpu.memory_space<hbm>>
    %dma_wait3A_228 = arith.constant 0 : i32
    %dma_wait3A_229 = arith.constant 0 : i32
    %dma_wait3A_230 = arith.constant 0 : i32
    %dma_wait3A_231 = tpu.memref_slice %arg6[%dma_wait3A, %dma_wait3A_228, %dma_wait3A_229, %dma_wait3A_230] : memref<4x8x50x64xf32, #tpu.memory_space<vmem>> -> memref<1x8x50x64xf32, #tpu.memory_space<vmem>>
    %dma_wait3A_232 = tpu.memref_squeeze %dma_wait3A_231 : memref<1x8x50x64xf32, #tpu.memory_space<vmem>> -> memref<8x50x64xf32, #tpu.memory_space<vmem>>
    tpu.wait_dma2 semaphore(%arg8 : memref<!tpu.dma_semaphore, #tpu.memory_space<semaphore_mem>>) src(%dma_wait3A_232 : memref<8x50x64xf32, #tpu.memory_space<vmem>>) dst(%dma_wait3A_227 : memref<8x50x64xf32, #tpu.memory_space<hbm>>)
    %add3A_233 = arith.constant 504 : i32
    %add3A_234 = arith.addi %mul3A_2, %add3A_233 : i32
    %dma_wait3A_235 = arith.constant 0 : i32
    %dma_wait3A_236 = arith.constant 0 : i32
    %dma_wait3A_237 = arith.constant 0 : i32
    %dma_wait3A_238 = arith.constant 0 : i32
    %dma_wait3A_239 = tpu.memref_slice %arg6[%dma_wait3A_235, %dma_wait3A_236, %dma_wait3A_237, %dma_wait3A_238] : memref<4x8x50x64xf32, #tpu.memory_space<vmem>> -> memref<1x8x50x64xf32, #tpu.memory_space<vmem>>
    %dma_wait3A_240 = tpu.memref_squeeze %dma_wait3A_239 : memref<1x8x50x64xf32, #tpu.memory_space<vmem>> -> memref<8x50x64xf32, #tpu.memory_space<vmem>>
    %dma_wait3A_241 = arith.constant 0 : i32
    %dma_wait3A_242 = arith.constant 0 : i32
    %dma_wait3A_243 = tpu.memref_slice %arg4[%add3A_234, %dma_wait3A_241, %dma_wait3A_242] : memref<16384x50x64xf32, #tpu.memory_space<hbm>> -> memref<8x50x64xf32, #tpu.memory_space<hbm>>
    %dma_wait3A_244 = arith.constant 0 : i32
    %dma_wait3A_245 = arith.constant 0 : i32
    %dma_wait3A_246 = tpu.memref_slice %arg4[%add3A_234, %dma_wait3A_244, %dma_wait3A_245] : memref<16384x50x64xf32, #tpu.memory_space<hbm>> -> memref<8x50x64xf32, #tpu.memory_space<hbm>>
    %dma_wait3A_247 = arith.constant 0 : i32
    %dma_wait3A_248 = arith.constant 0 : i32
    %dma_wait3A_249 = arith.constant 0 : i32
    %dma_wait3A_250 = tpu.memref_slice %arg6[%dma_wait3A_235, %dma_wait3A_247, %dma_wait3A_248, %dma_wait3A_249] : memref<4x8x50x64xf32, #tpu.memory_space<vmem>> -> memref<1x8x50x64xf32, #tpu.memory_space<vmem>>
    %dma_wait3A_251 = tpu.memref_squeeze %dma_wait3A_250 : memref<1x8x50x64xf32, #tpu.memory_space<vmem>> -> memref<8x50x64xf32, #tpu.memory_space<vmem>>
    tpu.wait_dma2 semaphore(%arg8 : memref<!tpu.dma_semaphore, #tpu.memory_space<semaphore_mem>>) src(%dma_wait3A_251 : memref<8x50x64xf32, #tpu.memory_space<vmem>>) dst(%dma_wait3A_246 : memref<8x50x64xf32, #tpu.memory_space<hbm>>)
    return
  }
}

</mosaic_0001>

<sc_bundles>
// kernel: _gather_sc.3.cloned.1.call-start
scs
__scs_entry_jumppad:
0x0: {  	(pc) =	sbr.rel $0x88, $3  }
0x1: {  	(tag) =	ssettag $0x0;
	lr =	simm.s32 $0x1  }
0x2: {  	[smem:$0x3F9F] =	sst lr;
	_ =	strace $0xD0000000  }
0x3: {  	_ = 	snop  }
0x4: {  	_ = 	snop  }
0x5: {  	_ = 	snop  }
0x6: {  	_ = 	snop  }
0x7: {  	_ = 	snop  }
__scs_overlays_trampoline_lowered:
0x8: {  	[smem:$0x3FAE] =	sst s0  }
0x9: {  	[smem:$0x3FAF] =	sst s1  }
0xa: {  	[smem:$0x3FB0] =	sst s2  }
0xb: {  	[smem:$0x3FB1] =	sst s3  }
0xc: {  	[smem:$0x3FB2] =	sst s4  }
0xd: {  	[smem:$0x3FB3] =	sst s5  }
0xe: {  	[smem:$0x3FB4] =	sst s6  }
0xf: {  	[smem:$0x3FB5] =	sst s7  }
0x10: {  	[smem:$0x3FB6] =	sst s8  }
0x11: {  	[smem:$0x3FB7] =	sst s9;
	s0 =	simm.s32 @!p0 $0x0  }
0x12: {  	s1 =	sld [smem:$0x3F9D];
	s0 =	simm.s32 @p0 $0x1  }
0x13: {  	[smem:$0x3FB8] =	sst s0;
	s0 =	simm.s32 @!p1 $0x0  }
0x14: {  	s2 =	sld [smem:$0x3F9C];
	s0 =	simm.s32 @p1 $0x1  }
0x15: {  	[smem:$0x3FB9] =	sst s0;
	s0 =	simm.s32 @!p2 $0x0  }
0x16: {  	s3 =	sld [smem:$0x3FDB];
	s0 =	simm.s32 @p2 $0x1  }
0x17: {  	s4 =	simm.s32 $0x1BF5;
	[smem:$0x3FBB] =	sst s0  }
0x18: {  	s0 =	sld [smem:$0x3F9E];
	_ =	swait.ge [sflag:s4], $0x0  }
0x19: {  	s7 =	sld [smem:$0x3F9F]  }
0x1a: {  	s8 =	sadd.s32 $0xFFFFE003, lr  }
0x1b: {  	s9 =	sadd.s32 $0xFFFFFEF7, lr;
	s5 =	simm.s32 $0xFFFFFFFF;
	p2 =	slt.u32 s8, $0xFFFFF086  }
0x1c: {  	p1 =	slt.u32 s9, $0xF7A;
	s5 =	simm.s32 @!p2 $0x0  }
0x1d: {  	s5 =	simm.s32 @p1 $0x1;
	p0 =	seq.s32 s7, s2  }
0x1e: {  	s7 =	smul.u32 @!p0 $0xF7A, s2;
	p2 =	seq.s32 @!p0 s5, $0x0  }
0x1f: {  	s9 =	smul.u32 $0xF7A, s1;
	s8 =	simm.s32 @!p0 $0x1BF5;
	p2 =	por !p2, p0  }
0x20: {  	[sflag:s8] =	ssyncset.s32 @!p0 $0xFFFFF086;
	s6 =	sadd.s32 @!p0 s3, s7;
	s7 =	simm.s32 @!p0 $0x108  }
0x21: {  	s3 =	sadd.s32 s3, s9;
	s6 =	sadd.s32 @!p0 $0x88, s6;
	s7 =	simm.s32 @p2 $0x1082  }
0x22: {  	[simem:s7], [sflag:s8] =	dma.local @!p0 [hbm:s6], $0xF7A  }
0x23: {  	s9 =	sor.u32 $0xD0000000, s2;
	s6 =	simm.s32 $0x108;
	_ =	swait.ge @!p0 [sflag:s8], $0x0  }
0x24: {  	s3 =	sadd.s32 $0x88, s3;
	s6 =	simm.s32 @!p1 $0x1082;
	[sflag:s4] =	ssyncset.s32 $0xFFFFF086  }
0x25: {  	[simem:s6], [sflag:s4] =	dma.local [hbm:s3], $0xF7A  }
0x26: {  	[smem:$0x3F9F] =	sst s1;
	(tag) =	ssettag s2;
	_ =	strace s9  }
0x27: {  	s1 =	sld [smem:$0x3FAF]  }
0x28: {  	s2 =	sld [smem:$0x3FB0]  }
0x29: {  	s4 =	sld [smem:$0x3FB2]  }
0x2a: {  	p0 =	seq.s32 s5, $0x0;
	s5 =	sld [smem:$0x3FB3]  }
0x2b: {  	s6 =	sld [smem:$0x3FB4]  }
0x2c: {  	s7 =	sld [smem:$0x3FB5]  }
0x2d: {  	s3 =	simm.s32 $0x108;
	s8 =	sld [smem:$0x3FB6]  }
0x2e: {  	s3 =	simm.s32 @!p0 $0x1082;
	s9 =	sld [smem:$0x3FB7]  }
0x2f: {  	lr =	sadd.s32 s0, s3;
	s0 =	sld [smem:$0x3FAE]  }
0x30: {  	s3 =	sld [smem:$0x3FB1]  }
0x31: {  	[smem:$0x3FBA] =	sst s10  }
0x32: {  	s10 =	sld [smem:$0x3FB8];
	_ =	sdelay $0x3  }
0x33: {  	p0 =	seq.s32 s10, $0x1;
	s10 =	sld [smem:$0x3FBA];
	_ =	sdelay $0x3  }
0x34: {  	[smem:$0x3FBA] =	sst s10  }
0x35: {  	s10 =	sld [smem:$0x3FB9];
	_ =	sdelay $0x3  }
0x36: {  	p1 =	seq.s32 s10, $0x1;
	s10 =	sld [smem:$0x3FBA];
	_ =	sdelay $0x3  }
0x37: {  	[smem:$0x3FBA] =	sst s10  }
0x38: {  	s10 =	sld [smem:$0x3FBB]  }
0x39: {  	_ = 	snop;
	(pc) =	sbr.ind lr, $3  }
0x3a: {  	_ = 	snop  }
0x3b: {  	_ = 	snop  }
0x3c: {  	p2 =	seq.s32 s10, $0x1;
	s10 =	sld [smem:$0x3FBA]  }
0x3d: {  	_ =	shalt  }
0x3e: {  	_ =	shalt  }
0x3f: {  	_ =	shalt  }
0x40: {  	_ =	shalt  }
0x41: {  	_ =	shalt  }
0x42: {  	_ =	shalt  }
0x43: {  	_ =	shalt  }
0x44: {  	_ =	shalt  }
0x45: {  	_ =	shalt  }
0x46: {  	_ =	shalt  }
0x47: {  	_ =	shalt  }
0x48: {  	_ =	shalt  }
0x49: {  	_ =	shalt  }
0x4a: {  	_ =	shalt  }
0x4b: {  	_ =	shalt  }
0x4c: {  	_ =	shalt  }
0x4d: {  	_ =	shalt  }
0x4e: {  	_ =	shalt  }
0x4f: {  	_ =	shalt  }
0x50: {  	_ =	shalt  }
0x51: {  	_ =	shalt  }
0x52: {  	_ =	shalt  }
0x53: {  	_ =	shalt  }
0x54: {  	_ =	shalt  }
0x55: {  	_ =	shalt  }
0x56: {  	_ =	shalt  }
0x57: {  	_ =	shalt  }
0x58: {  	_ =	shalt  }
0x59: {  	_ =	shalt  }
0x5a: {  	_ =	shalt  }
0x5b: {  	_ =	shalt  }
0x5c: {  	_ =	shalt  }
0x5d: {  	_ =	shalt  }
0x5e: {  	_ =	shalt  }
0x5f: {  	_ =	shalt  }
0x60: {  	_ =	shalt  }
0x61: {  	_ =	shalt  }
0x62: {  	_ =	shalt  }
0x63: {  	_ =	shalt  }
0x64: {  	_ =	shalt  }
0x65: {  	_ =	shalt  }
0x66: {  	_ =	shalt  }
0x67: {  	_ =	shalt  }
0x68: {  	_ =	shalt  }
0x69: {  	_ =	shalt  }
0x6a: {  	_ =	shalt  }
0x6b: {  	_ =	shalt  }
0x6c: {  	_ =	shalt  }
0x6d: {  	_ =	shalt  }
0x6e: {  	_ =	shalt  }
0x6f: {  	_ =	shalt  }
0x70: {  	_ =	shalt  }
0x71: {  	_ =	shalt  }
0x72: {  	_ =	shalt  }
0x73: {  	_ =	shalt  }
0x74: {  	_ =	shalt  }
0x75: {  	_ =	shalt  }
0x76: {  	_ =	shalt  }
0x77: {  	_ =	shalt  }
0x78: {  	_ =	shalt  }
0x79: {  	_ =	shalt  }
0x7a: {  	_ =	shalt  }
0x7b: {  	_ =	shalt  }
0x7c: {  	_ =	shalt  }
0x7d: {  	_ =	shalt  }
0x7e: {  	_ =	shalt  }
0x7f: {  	_ =	shalt  }
0x80: {  	_ =	shalt  }
0x81: {  	_ =	shalt  }
0x82: {  	_ =	shalt  }
0x83: {  	_ =	shalt  }
0x84: {  	_ =	shalt  }
0x85: {  	_ =	shalt  }
0x86: {  	_ =	shalt  }
0x87: {  	_ =	shalt  }
.Lfunc_end0:
.L_simem_size_0:
called_computation.1_lowered:
.L_overlay_start_0:
0x88: {  	s2 =	sld [smem:$0x3FD9]  }
0x89: {  	s3 =	sld [smem:$0x3FFE];
	_ =	sdelay $0x1  }
0x8a: {  	s1 =	srdreg.scid  }
0x8b: {  	s0 =	sand.u32 $0x1, s1  }
0x8c: {  	s17 =	sshll.u32 s0, $0xA;
	s2 =	sadd.s32 s3, s2  }
0x8d: {  	s2 =	sadd.s32 s2, s17  }
0x8e: {  	[smem:$0x3FC6] =	sst s2  }
0x8f: {  	_ = 	snop  }
0x90: {  	s2 =	sld [smem:$0x3FD0];
	(tm) =	ssettm $0x1  }
0x91: {  	s18 =	sld [smem:$0x3FFB];
	_ =	sdelay $0x3  }
0x92: {  	_ =	strace s18  }
0x93: {  	s3 =	sld [smem:$0x3FFC];
	_ =	sdelay $0x3  }
0x94: {  	_ =	strace s3  }
0x95: {  	s3 =	sld [smem:$0x3FFD];
	_ =	sdelay $0x3  }
0x96: {  	_ =	strace s3  }
0x97: {  	_ =	strace $0x8FFFFFFF  }
0x98: {  	s19 =	sld [smem:$0x3FDB];
	_ =	sdelay $0x1  }
0x99: {  	s4 =	simm.s32 $_scs_section_size  }
0x9a: {  	s5 =	simm.s32 $_size__tile_overlayer_lowered;
	s6 =	simm.s32 $_tile_overlayer_lowered  }
0x9b: {  	s22 =	simm.s32 $0x1BFF;
	s21 =	sshll.u32 s6, $0x1;
	s3 =	sadd.s32 s4, s19  }
0x9c: {  	s7 =	simm.s32 $0x0;
	s20 =	sshll.u32 s5, $0x1;
	s5 =	sadd.s32 s21, s3  }
0x9d: {  	[timem:s7], [sflag:s22] =	dma.local [hbm:s5], s20  }
0x9e: {  	_ =	swait.ge [sflag:s22], s20  }
0x9f: {  	s4 =	ssub.s32 $0x0, s20;
	[sflag:s22] =	ssyncset.done $0x0  }
0xa0: {  	[sflag:s22] =	ssyncadd.s32 s4;
	_ =	sdelay $0x1  }
0xa1: {  	s23 =	simm.s32 $0x1B8B  }
0xa2: {  	_ =	swait.ge [sflag:s23], $0x1  }
0xa3: {  	[sflag:s23] =	ssyncset.done $0x0  }
0xa4: {  	s25 =	simm.s32 $0x1B8E;
	s24 =	sld [smem:$0x3FFE];
	[sflag:s23] =	ssyncadd.s32 $0xFFFFFFFF  }
0xa5: {  	s26 =	simm.s32 $execute0_lowered;
	[smem:$0x3FD2] =	sst s25  }
0xa6: {  	s5 =	sshll.u32 s26, $0x1;
	_ =	strace $0x80000046;
	[dreg:$0x1] =	wrdreg $0xFFFFFFFF  }
0xa7: {  	s28 =	simm.s32 $_size_execute0_lowered;
	s3 =	sadd.s32 s3, s5;
	[dreg:$0x0] =	wrdreg $0x0  }
0xa8: {  	s5 =	sshll.u32 s28, $0x1;
	[dreg:$0x2] =	wrdreg s3  }
0xa9: {  	[dreg:$0x3] =	wrdreg s5  }
0xaa: {  	[dreg:$0x4] =	wrdreg $0xC0  }
0xab: {  	_ =	task [dreg:s7], $0x5FFFF  }
0xac: {  	[dreg:$0x1] =	wrdreg $0xFFFFFFFF  }
0xad: {  	[dreg:$0x0] =	wrdreg $0x60  }
0xae: {  	[dreg:$0x2] =	wrdreg s24  }
0xaf: {  	[dreg:$0x3] =	wrdreg s2  }
0xb0: {  	[dreg:$0x4] =	wrdreg $0x9  }
0xb1: {  	_ =	task.clear_ibuf [dreg:s7], $0x5FFFF;
	_ =	strace $0x90000046  }
0xb2: {  	s29 =	simm.s32 $0x9;
	_ =	strace $0x80000048  }
0xb3: {  	_ =	swait.ge [sflag:s29], $0x1  }
0xb4: {  	[sflag:s29] =	ssyncadd.s32 $0xFFFFFFFF  }
0xb5: {  	_ =	strace $0x90000048  }
0xb6: {  	_ =	sfence  }
0xb7: {  	s30 =	sld [smem:$0x0];
	_ =	sdelay $0x2  }
0xb8: {  	s31 =	sshll.u32 s1, $0xD;
	s1 =	sshrl.u32 s1, $0x2  }
0xb9: {  	s3 =	sand.u32 $0x4000, s31;
	s1 =	sadd.s32 s1, s30  }
0xba: {  	s0 =	sor.u32 s3, s0;
	s1 =	sshll.u32 s1, $0x11  }
0xbb: {  	s0 =	sor.u32 s1, s0  }
0xbc: {  	s0 =	sadd.s32 $0x8F2B, s0  }
0xbd: {  	[sflag:s0] =	ssyncadd.remote.s32 $0x1  }
0xbe: {  	_ =	sfence.sel $0xFFFF  }
0xbf: {  	[dreg:$0x0] =	wrdreg $0xFFFFFFFF;
	(pc) =	sbr.abs _section_cstart, $3  }
0xc0: {  	[dreg:$0x1] =	wrdreg $0xFFFFFFFF  }
0xc1: {  	_ =	task.clear_ibuf [dreg:s7], $0x2FFFF;
	_ =	strace $0x9FFFFFFF  }
0xc2: {  	(tm) =	ssettm $0x7FFFFFFF  }
0xc3: {  	_ =	shalt  }
tec
execute0_lowered:
.L_overlay_start_1:
0x0: {  	(tag) =	ssettag $0x1  }
0x1: {  	s0 =	srdreg.scid  }
0x2: {  	s1 =	rddreg [dreg:$0x0];
	s6 =	stileid.u32  }
0x3: {  	s4 =	rddreg [dreg:$0x1];
	s2 =	simm.s32 $0x0;
	s28 =	simm.s32 $0xE080  }
0x4: {  	s29 =	simm.s32 $0x230;
	s30 =	simm.s32 $0xED00;
	s31 =	simm.s32 $0x268  }
0x5: {  	s9 =	simm.s32 $0x10600;
	s10 =	simm.s32 $0x2D8;
	s11 =	simm.s32 $0x11280  }
0x6: {  	s12 =	simm.s32 $0x310;
	s13 =	simm.s32 $0x11F00;
	s14 =	simm.s32 $0x348  }
0x7: {  	s15 =	simm.s32 $0x12B80;
	s16 =	simm.s32 $0x1;
	s17 =	simm.s32 $0x2  }
0x8: {  	s18 =	simm.s32 $0x0;
	s0 =	sand.u32 $0x1, s0;
	s3 =	sshll.u32 s6, $0xA  }
0x9: {  	[smem:$0x7FF] =	sst s2;
	s6 =	smul.u32 $0x64000, s6;
	s5 =	sshll.u32 s0, $0x9  }
0xa: {  	_ =	strace $0x80000047;
	s25 =	ssub.s32 $0x2, s0;
	s0 =	smul.u32 $0x32000, s0  }
0xb: {  	s3 =	sor.u32 s5, s3;
	s8 =	sshrl.u32 s25, $0x1;
	s6 =	sadd.s32 s6, s4  }
0xc: {  	s3 =	smul.u32 $0x7, s3;
	s26 =	ssub.s32 s25, s8;
	s19 =	sadd.s32 s0, s6  }
0xd: {  	s8 =	simm.s32 $0x32;
	s0 =	simm.s32 $0x2A0;
	s5 =	smax.u32 s26, $0x1  }
0xe: {  	s26 =	simm.s32 $0x1F8;
	s7 =	sadd.s32 s3, s1;
	s3 =	sadd.s32 $0xF42E00, s1  }
0xf: {  	s1 =	simm.s32 $0xF980;
	s4 =	sadd.s32 $0xA00, s7;
	s7 =	simm.s32 $0x3  }
.LBB2_1:
0x10: {  	[tilespmem:s2], [sflag:$0x3] =	stream.linear.gather [hbm4b:s4+s2], $0x7000, $0x38;
	v63 =	vld [tilespmem:$0x0]  }
0x11: {  	_ =	swait.ge [sflag:s7], $0x7000  }
0x12: {  	[sflag:s7] =	ssyncset.done $0x0  }
0x13: {  	s6 =	simm.s32 $0x7000;
	[sflag:s7] =	ssyncadd.s32 $0xFFFF9000  }
0x14: {  	[tilespmem:s6], [sflag:$0x1] =	stream.indirect.gather [hbm4b:s3+s8], $0x40, s2, s8, $0xb8;
	v63 =	vld [tilespmem:$0x0]  }
0x15: {  	s23 =	simm.s32 $0x38;
	s20 =	simm.s32 $0x7C80  }
0x16: {  	[tilespmem:s20], [sflag:$0x1] =	stream.indirect.gather [hbm4b:s3+s8], $0x40, s23, s8, $0xb8;
	v63 =	vld [tilespmem:$0x0]  }
0x17: {  	s24 =	simm.s32 $0x70;
	s25 =	simm.s32 $0x8900  }
0x18: {  	[tilespmem:s25], [sflag:$0x1] =	stream.indirect.gather [hbm4b:s3+s8], $0x40, s24, s8, $0xb8;
	v63 =	vld [tilespmem:$0x0]  }
0x19: {  	s21 =	simm.s32 $0x9580;
	s20 =	simm.s32 $0xA8  }
0x1a: {  	[tilespmem:s21], [sflag:$0x1] =	stream.indirect.gather [hbm4b:s3+s8], $0x40, s20, s8, $0xb8;
	v63 =	vld [tilespmem:$0x0]  }
0x1b: {  	s22 =	simm.s32 $0xE0;
	s23 =	simm.s32 $0xA200  }
0x1c: {  	[tilespmem:s23], [sflag:$0x1] =	stream.indirect.gather [hbm4b:s3+s8], $0x40, s22, s8, $0xb8;
	v63 =	vld [tilespmem:$0x0]  }
0x1d: {  	s24 =	simm.s32 $0x118;
	s25 =	simm.s32 $0xAE80  }
0x1e: {  	[tilespmem:s25], [sflag:$0x1] =	stream.indirect.gather [hbm4b:s3+s8], $0x40, s24, s8, $0xb8;
	v63 =	vld [tilespmem:$0x0]  }
0x1f: {  	s20 =	simm.s32 $0x150;
	s21 =	simm.s32 $0xBB00  }
0x20: {  	[tilespmem:s21], [sflag:$0x1] =	stream.indirect.gather [hbm4b:s3+s8], $0x40, s20, s8, $0xb8;
	v63 =	vld [tilespmem:$0x0]  }
0x21: {  	s22 =	simm.s32 $0x188;
	s23 =	simm.s32 $0xC780  }
0x22: {  	[tilespmem:s23], [sflag:$0x1] =	stream.indirect.gather [hbm4b:s3+s8], $0x40, s22, s8, $0xb8;
	v63 =	vld [tilespmem:$0x0]  }
0x23: {  	s24 =	simm.s32 $0x1C0;
	s25 =	simm.s32 $0xD400  }
0x24: {  	[tilespmem:s25], [sflag:$0x1] =	stream.indirect.gather [hbm4b:s3+s8], $0x40, s24, s8, $0xb8;
	v63 =	vld [tilespmem:$0x0]  }
0x25: {  	_ = 	snop  }
0x26: {  	[tilespmem:s28], [sflag:$0x1] =	stream.indirect.gather [hbm4b:s3+s8], $0x40, s26, s8, $0xb8;
	v63 =	vld [tilespmem:$0x0]  }
0x27: {  	_ = 	snop  }
0x28: {  	[tilespmem:s30], [sflag:$0x1] =	stream.indirect.gather [hbm4b:s3+s8], $0x40, s29, s8, $0xb8;
	v63 =	vld [tilespmem:$0x0]  }
0x29: {  	_ = 	snop  }
0x2a: {  	[tilespmem:s1], [sflag:$0x1] =	stream.indirect.gather [hbm4b:s3+s8], $0x40, s31, s8, $0xb8;
	v63 =	vld [tilespmem:$0x0]  }
0x2b: {  	_ = 	snop  }
0x2c: {  	[tilespmem:s9], [sflag:$0x1] =	stream.indirect.gather [hbm4b:s3+s8], $0x40, s0, s8, $0xb8;
	v63 =	vld [tilespmem:$0x0]  }
0x2d: {  	_ = 	snop  }
0x2e: {  	[tilespmem:s11], [sflag:$0x1] =	stream.indirect.gather [hbm4b:s3+s8], $0x40, s10, s8, $0xb8;
	v63 =	vld [tilespmem:$0x0]  }
0x2f: {  	_ = 	snop  }
0x30: {  	[tilespmem:s13], [sflag:$0x1] =	stream.indirect.gather [hbm4b:s3+s8], $0x40, s12, s8, $0xb8;
	v63 =	vld [tilespmem:$0x0]  }
0x31: {  	s6 =	smov.u32 s19;
	s20 =	simm.s32 $0x0;
	s21 =	simm.s32 $0x0  }
0x32: {  	[tilespmem:s15], [sflag:$0x1] =	stream.indirect.gather [hbm4b:s3+s8], $0x40, s14, s8, $0xb8;
	v63 =	vld [tilespmem:$0x0]  }
.LBB2_2:
0x33: {  	_ =	swait.ge [sflag:s16], $0xC80  }
0x34: {  	[sflag:s16] =	ssyncset.done $0x0  }
0x35: {  	[sflag:s16] =	ssyncadd.s32 $0xFFFFF380  }
0x36: {  	_ =	swait.ge [sflag:s16], $0xC80  }
0x37: {  	[sflag:s16] =	ssyncset.done $0x0  }
0x38: {  	[sflag:s16] =	ssyncadd.s32 $0xFFFFF380  }
0x39: {  	_ =	swait.ge [sflag:s16], $0xC80  }
0x3a: {  	[sflag:s16] =	ssyncset.done $0x0  }
0x3b: {  	[sflag:s16] =	ssyncadd.s32 $0xFFFFF380  }
0x3c: {  	_ =	swait.ge [sflag:s16], $0xC80  }
0x3d: {  	[sflag:s16] =	ssyncset.done $0x0  }
0x3e: {  	[sflag:s16] =	ssyncadd.s32 $0xFFFFF380  }
0x3f: {  	_ =	swait.ge [sflag:s16], $0xC80  }
0x40: {  	[sflag:s16] =	ssyncset.done $0x0  }
0x41: {  	[sflag:s16] =	ssyncadd.s32 $0xFFFFF380  }
0x42: {  	_ =	swait.ge [sflag:s16], $0xC80  }
0x43: {  	[sflag:s16] =	ssyncset.done $0x0  }
0x44: {  	[sflag:s16] =	ssyncadd.s32 $0xFFFFF380  }
0x45: {  	_ =	swait.ge [sflag:s16], $0xC80  }
0x46: {  	[sflag:s16] =	ssyncset.done $0x0  }
0x47: {  	[sflag:s16] =	ssyncadd.s32 $0xFFFFF380  }
0x48: {  	_ =	swait.ge [sflag:s16], $0xC80  }
0x49: {  	p0 =	slt.u32 s21, $0x2;
	[sflag:s16] =	ssyncset.done $0x0  }
0x4a: {  	s22 =	simm.s32 @!p0 $0x2;
	[sflag:s16] =	ssyncadd.s32 $0xFFFFF380  }
0x4b: {  	p1 =	sgt.u32 @!p0 s21, $0x3D;
	_ =	swait.ge @!p0 [sflag:s22], $0x6400  }
0x4c: {  	p1 =	por p0, !p1;
	[sflag:s22] =	ssyncset.done @!p0 $0x0  }
0x4d: {  	[sflag:s22] =	ssyncadd.s32 @!p0 $0xFFFF9C00;
	s22 =	sadd.s32 @p1 $0x2, s21  }
0x4e: {  	s22 =	sand.u32 @p1 $0x3, s22  }
0x4f: {  	s22 =	smul.u32 @p1 $0x19000, s22;
	_ =	sdelay $0x1  }
0x50: {  	s23 =	sshra.s32 @p1 s20, $0x2;
	s22 =	sshrl.u32 @p1 s22, $0x2  }
0x51: {  	s25 =	sadd.s32 @p1 $0x380, s23;
	s24 =	sadd.s32 @p1 $0x7000, s22  }
0x52: {  	[tilespmem:s24], [sflag:$0x1] =	stream.indirect.gather @p1 [hbm4b:s3+s8], $0x40, s25, s8, $0xb8;
	v63 =	vld [tilespmem:$0x0]  }
0x53: {  	s24 =	sadd.s32 @p1 $0x7C80, s22;
	s25 =	sadd.s32 @p1 $0x3B8, s23  }
0x54: {  	[tilespmem:s24], [sflag:$0x1] =	stream.indirect.gather @p1 [hbm4b:s3+s8], $0x40, s25, s8, $0xb8;
	v63 =	vld [tilespmem:$0x0]  }
0x55: {  	s24 =	sadd.s32 @p1 $0x8900, s22;
	s25 =	sadd.s32 @p1 $0x3F0, s23  }
0x56: {  	[tilespmem:s24], [sflag:$0x1] =	stream.indirect.gather @p1 [hbm4b:s3+s8], $0x40, s25, s8, $0xb8;
	v63 =	vld [tilespmem:$0x0]  }
0x57: {  	s24 =	sadd.s32 @p1 $0x9580, s22;
	s25 =	sadd.s32 @p1 $0x428, s23  }
0x58: {  	[tilespmem:s24], [sflag:$0x1] =	stream.indirect.gather @p1 [hbm4b:s3+s8], $0x40, s25, s8, $0xb8;
	v63 =	vld [tilespmem:$0x0]  }
0x59: {  	s24 =	sadd.s32 @p1 $0xA200, s22;
	s25 =	sadd.s32 @p1 $0x460, s23  }
0x5a: {  	[tilespmem:s24], [sflag:$0x1] =	stream.indirect.gather @p1 [hbm4b:s3+s8], $0x40, s25, s8, $0xb8;
	v63 =	vld [tilespmem:$0x0]  }
0x5b: {  	s24 =	sadd.s32 @p1 $0xAE80, s22;
	s25 =	sadd.s32 @p1 $0x498, s23  }
0x5c: {  	[tilespmem:s24], [sflag:$0x1] =	stream.indirect.gather @p1 [hbm4b:s3+s8], $0x40, s25, s8, $0xb8;
	v63 =	vld [tilespmem:$0x0]  }
0x5d: {  	s20 =	sadd.s32 $0x700, s20;
	s24 =	sadd.s32 @p1 $0xBB00, s22;
	s25 =	sadd.s32 @p1 $0x4D0, s23  }
0x5e: {  	[tilespmem:s24], [sflag:$0x1] =	stream.indirect.gather @p1 [hbm4b:s3+s8], $0x40, s25, s8, $0xb8;
	v63 =	vld [tilespmem:$0x0]  }
0x5f: {  	s22 =	sadd.s32 @p1 $0xC780, s22;
	s23 =	sadd.s32 @p1 $0x508, s23;
	s25 =	sand.u32 $0x3, s21  }
0x60: {  	[tilespmem:s22], [sflag:$0x1] =	stream.indirect.gather @p1 [hbm4b:s3+s8], $0x40, s23, s8, $0xb8;
	v63 =	vld [tilespmem:$0x0]  }
0x61: {  	p0 =	sne.s32 s20, $0x1C000;
	s22 =	smul.u32 $0x19000, s25  }
.Ltmp0:
0x62: {  	_ = 	snop;
	(pc) =	sbr.rel @p0 .LBB2_2-.Ltmp0, $4  }
0x63: {  	s22 =	sshrl.u32 s22, $0x2  }
0x64: {  	s22 =	sadd.s32 $0x7000, s22  }
0x65: {  	[hbm4b:s6+s2] =	stream.linear.scatter [tilespmem:s22], [sflag:$0x2], $0x6400, $0x38;
	v63 =	vld [tilespmem:$0x0]  }
0x66: {  	s21 =	sadd.s32 $0x1, s21;
	s6 =	sadd.s32 $0xC80, s6  }
0x67: {  	s18 =	sadd.s32 $0x1, s18  }
0x68: {  	_ =	swait.ge [sflag:s17], $0x6400;
	p0 =	sne.s32 s18, s5  }
.Ltmp1:
0x69: {  	[sflag:s17] =	ssyncset.done $0x0;
	(pc) =	sbr.rel @p0 .LBB2_1-.Ltmp1, $4  }
0x6a: {  	[sflag:s17] =	ssyncadd.s32 $0xFFFF9C00  }
0x6b: {  	_ =	swait.ge [sflag:s17], $0x6400  }
0x6c: {  	[sflag:s17] =	ssyncset.done $0x0  }
0x6d: {  	[sflag:s17] =	ssyncadd.s32 $0xFFFF9C00  }
0x6e: {  	_ =	sfence.sel $0x180000  }
0x6f: {  	[bflag:$0x0] =	sbarrier.arrive $0xFFFF  }
0x70: {  	_ =	strace $0x90000047  }
0x71: {  	s0 =	stileid.u32;
	[bflag:$0x2] =	sbarrier.arrive $0xFFFF  }
0x72: {  	p0 =	sne.s32 s0, $0x0;
	s0 =	rddreg [dreg:$0x2]  }
0x73: {  	s0 =	sadd.s32 @!p0 $0x100000, s0  }
0x74: {  	[sflag:s0] =	ssyncadd.tile.s32 @!p0 $0x1;
	_ =	shalt  }
.Lfunc_end2:
_tile_overlayer_lowered:
.L_overlay_start_2:
0x75: {  	(tag) =	ssettag $0x2  }
0x76: {  	s0 =	rddreg [dreg:$0x0];
	s2 =	stileid.u32  }
0x77: {  	s1 =	rddreg [dreg:$0x1];
	p0 =	sne.s32 s2, $0x0  }
0x78: {  	s3 =	rddreg [dreg:$0x2];
	[bflag:$0x3] =	sbarrier.arrive $0xFFFF;
	s2 =	simm.s32 @!p0 $0x1C03  }
0x79: {  	[timem:s3], [sflag:s2] =	dma.local @!p0 [hbm:s0], s1  }
0x7a: {  	s0 =	simm.s32 @!p0 $0x3  }
0x7b: {  	_ =	swait.ge @!p0 [sflag:s0], s1  }
0x7c: {  	s1 =	ssub.s32 @!p0 $0x0, s1;
	[sflag:s0] =	ssyncset.done @!p0 $0x0  }
0x7d: {  	[sflag:s0] =	ssyncadd.s32 @!p0 s1  }
0x7e: {  	[bflag:$0x3] =	sbarrier.arrive $0xFFFF  }
0x7f: {  	_ =	shalt  }

// kernel: sparse-core-data-format-call.cloned.1.call-start
scs
called_computation_lowered:
.L_overlay_start_0:
0x0: {  	s2 =	sld [smem:$0x3FD9]  }
0x1: {  	s3 =	sld [smem:$0x3FFE];
	_ =	sdelay $0x1  }
0x2: {  	s1 =	srdreg.scid  }
0x3: {  	s0 =	sand.u32 $0x1, s1  }
0x4: {  	s18 =	sshll.u32 s0, $0xA;
	s2 =	sadd.s32 s3, s2  }
0x5: {  	s2 =	sadd.s32 s2, s18  }
0x6: {  	[smem:$0x3FC6] =	sst s2  }
0x7: {  	_ = 	snop  }
0x8: {  	s2 =	sld [smem:$0x3FD0];
	(tm) =	ssettm $0x1  }
0x9: {  	s19 =	sld [smem:$0x3FFB];
	_ =	sdelay $0x3  }
0xa: {  	_ =	strace s19  }
0xb: {  	s3 =	sld [smem:$0x3FFC];
	_ =	sdelay $0x3  }
0xc: {  	_ =	strace s3  }
0xd: {  	s3 =	sld [smem:$0x3FFD];
	_ =	sdelay $0x3  }
0xe: {  	_ =	strace s3  }
0xf: {  	_ =	strace $0x8FFFFFFF  }
0x10: {  	s20 =	sld [smem:$0x3FDB];
	_ =	sdelay $0x1  }
0x11: {  	s4 =	simm.s32 $_scs_section_size  }
0x12: {  	s5 =	simm.s32 $_size__tile_overlayer_lowered;
	s6 =	simm.s32 $_tile_overlayer_lowered  }
0x13: {  	s23 =	simm.s32 $0x1BFF;
	s22 =	sshll.u32 s6, $0x1;
	s3 =	sadd.s32 s4, s20  }
0x14: {  	s7 =	simm.s32 $0x0;
	s21 =	sshll.u32 s5, $0x1;
	s5 =	sadd.s32 s22, s3  }
0x15: {  	[timem:s7], [sflag:s23] =	dma.local [hbm:s5], s21  }
0x16: {  	_ =	swait.ge [sflag:s23], s21  }
0x17: {  	s4 =	ssub.s32 $0x0, s21;
	[sflag:s23] =	ssyncset.done $0x0  }
0x18: {  	[sflag:s23] =	ssyncadd.s32 s4;
	_ =	sdelay $0x1  }
0x19: {  	s24 =	simm.s32 $0x1B8B  }
0x1a: {  	_ =	swait.ge [sflag:s24], $0x1  }
0x1b: {  	[sflag:s24] =	ssyncset.done $0x0  }
0x1c: {  	s26 =	simm.s32 $0x1B8E;
	s25 =	sld [smem:$0x3FFE];
	[sflag:s24] =	ssyncadd.s32 $0xFFFFFFFF  }
0x1d: {  	s27 =	simm.s32 $execute0_lowered;
	[smem:$0x3FD2] =	sst s26  }
0x1e: {  	s5 =	sshll.u32 s27, $0x1;
	_ =	strace $0x80000049;
	[dreg:$0x1] =	wrdreg $0xFFFFFFFF  }
0x1f: {  	s28 =	simm.s32 $_size_execute0_lowered;
	s3 =	sadd.s32 s3, s5;
	[dreg:$0x0] =	wrdreg $0x0  }
0x20: {  	s5 =	sshll.u32 s28, $0x1;
	[dreg:$0x2] =	wrdreg s3  }
0x21: {  	[dreg:$0x3] =	wrdreg s5  }
0x22: {  	[dreg:$0x4] =	wrdreg $0xC0  }
0x23: {  	_ =	task [dreg:s7], $0x5FFFF  }
0x24: {  	[dreg:$0x1] =	wrdreg $0xFFFFFFFF  }
0x25: {  	[dreg:$0x0] =	wrdreg $0x60  }
0x26: {  	[dreg:$0x2] =	wrdreg s25  }
0x27: {  	[dreg:$0x3] =	wrdreg s2  }
0x28: {  	[dreg:$0x4] =	wrdreg $0x9  }
0x29: {  	_ =	task.clear_ibuf [dreg:s7], $0x5FFFF;
	_ =	strace $0x90000049  }
0x2a: {  	s29 =	simm.s32 $0x9;
	_ =	strace $0x8000004B  }
0x2b: {  	_ =	swait.ge [sflag:s29], $0x1  }
0x2c: {  	[sflag:s29] =	ssyncadd.s32 $0xFFFFFFFF  }
0x2d: {  	_ =	strace $0x9000004B  }
0x2e: {  	_ =	sfence  }
0x2f: {  	s30 =	sld [smem:$0x0];
	_ =	sdelay $0x2  }
0x30: {  	s31 =	sshll.u32 s1, $0xD;
	s1 =	sshrl.u32 s1, $0x2  }
0x31: {  	s3 =	sand.u32 $0x4000, s31;
	s1 =	sadd.s32 s1, s30  }
0x32: {  	s0 =	sor.u32 s3, s0;
	s1 =	sshll.u32 s1, $0x11  }
0x33: {  	s0 =	sor.u32 s1, s0  }
0x34: {  	s0 =	sadd.s32 $0x8F2B, s0  }
0x35: {  	[sflag:s0] =	ssyncadd.remote.s32 $0x1  }
0x36: {  	_ =	sfence.sel $0xFFFF  }
0x37: {  	[dreg:$0x0] =	wrdreg $0xFFFFFFFF;
	(pc) =	sbr.abs _section_cstart, $3  }
0x38: {  	[dreg:$0x1] =	wrdreg $0xFFFFFFFF  }
0x39: {  	_ =	task.clear_ibuf [dreg:s7], $0x2FFFF;
	_ =	strace $0x9FFFFFFF  }
0x3a: {  	(tm) =	ssettm $0x7FFFFFFF  }
0x3b: {  	_ =	shalt  }
tec
execute0_lowered:
.L_overlay_start_1:
0x0: {  	(tag) =	ssettag $0x1  }
0x1: {  	s0 =	srdreg.scid  }
0x2: {  	s1 =	sshll.u32 s0, $0x4  }
0x3: {  	s0 =	stileid.u32;
	s1 =	sand.u32 $0x10, s1  }
0x4: {  	s1 =	sor.u32 s0, s1  }
0x5: {  	s6 =	rddreg [dreg:$0x0];
	s4 =	simm.s32 $0x1;
	s2 =	sshll.u32 s1, $0x7  }
0x6: {  	s7 =	simm.s32 $0x2;
	s12 =	simm.s32 $0x0;
	s1 =	ssub.s32 $0x4000, s2  }
0x7: {  	s8 =	simm.s32 $0x20000;
	s13 =	simm.s32 $0x0;
	s3 =	sand.u32 $0xF80, s1  }
0x8: {  	s9 =	simm.s32 $0x0;
	s5 =	sshrl.u32 s1, $0xC;
	p0 =	sne.s32 s3, $0x0  }
.Ltmp0:
0x9: {  	s1 =	rddreg [dreg:$0x2];
	s4 =	simm.s32 @!p0 $0x0;
	(pc) =	sbr.rel .LBB1_1-.Ltmp0, $4  }
0xa: {  	s11 =	simm.s32 $0x0;
	s3 =	rddreg [dreg:$0x1];
	s5 =	sadd.s32 s4, s5  }
0xb: {  	_ =	strace $0x8000004A;
	s4 =	simm.s32 $0x1;
	s5 =	smul.u32 $0x32, s5  }
0xc: {  	s6 =	sadd.s32 $0xA00, s6;
	s10 =	smov.u32 s2;
	[sflag:s4] =	ssyncpa.u1 $0x0  }
0xd: {  	p0 =	por $0x0, $0x0;
	[sflag:s7] =	ssyncpa.u1 $0x0;
	s7 =	sor.u32 $0x1, s5  }
.LBB1_4:
0xe: {  	s16 =	sshll.u32 s13, $0x3;
	s17 =	sand.u32 $0x78, s13  }
0xf: {  	s30 =	sand.u32 $0x1F800, s13;
	s12 =	sshll.u32 s12, $0x11;
	s16 =	sand.u32 $0x3C00, s16  }
0x10: {  	[tilespmem:s15+$0x810 ss:$0x81] =	vst.msk $0xffff, v2;
	s31 =	sand.u32 $0x7, s13;
	s16 =	sor.u32 s17, s16;
	s17 =	sadd.s32 s3, s30  }
0x11: {  	[tilespmem:s15+$0x1020 ss:$0x81] =	vst.msk $0xffff, v0;
	s13 =	sshll.u32 s31, $0x12;
	s12 =	sadd.s32 s12, s17;
	s16 =	sshrl.u32 s16, $0x3  }
0x12: {  	[tilespmem:s15+$0x0 ss:$0x81] =	vst.msk $0xffff, v1;
	s13 =	sor.u32 $0x400, s13;
	s12 =	sadd.s32 s16, s12  }
0x13: {  	[hbm4b:s12+s13] =	stream.strided.scatter [tilespmem:s14], [sflag:$0x2], $0x2000, s8, s13, $0x20;
	[tilespmem:$0x8080] =	vst v63  }
.LBB1_5:
0x14: {  	s14 =	sadd.s32 $0x1, s9  }
0x15: {  	s12 =	sadd.s32 $0x1000, s10;
	s16 =	smov.u32 s10;
	p2 =	sgt.s32 s14, $0x31  }
0x16: {  	s16 =	smov.u32 @p2 s12  }
0x17: {  	s14 =	simm.s32 @p2 $0x0;
	p2 =	sgt.s32 s16, $0x3FFF  }
0x18: {  	s16 =	smov.u32 @p2 s2;
	p2 =	sne.s32 s11, s7  }
.Ltmp1:
0x19: {  	p1 =	slt.u32 s11, $0x2;
	(pc) =	sbr.rel @!p2 .LBB1_6-.Ltmp1, $4  }
0x1a: {  	s15 =	simm.s32 @!p1 $0x2  }
0x1b: {  	s13 =	smov.u32 s10;
	p0 =	por !p0, !p0;
	_ =	swait.ge @!p1 [sflag:s15], $0x2000  }
0x1c: {  	s12 =	smov.u32 s9;
	[sflag:s15] =	ssyncset.done @!p1 $0x0;
	s9 =	smov.u32 s14  }
0x1d: {  	s11 =	sadd.s32 $0x1, s11;
	[sflag:s15] =	ssyncadd.s32 @!p1 $0xFFFFE000;
	s10 =	smov.u32 s16  }
.LBB1_1:
0x1e: {  	p1 =	sge.u32 s11, s5  }
0x1f: {  	s14 =	sand.u32 @!p1 $0x1FFFFFF, s9  }
0x20: {  	s15 =	smulhi.u32 @!p1 $0x4924925, s14;
	_ =	sdelay $0x1  }
0x21: {  	s15 =	smul.u32 @!p1 $0x38, s15  }
0x22: {  	s16 =	sxor.u32 @!p1 $0xFFFFFFFF, s11;
	s17 =	smul.u32 @!p1 $0x380, s10  }
0x23: {  	s31 =	sadd.s32 $0xFFFFFFFF, s11;
	s16 =	sshll.u32 @!p1 s16, $0xD;
	s14 =	ssub.s32 @!p1 s14, s15  }
0x24: {  	s15 =	sand.u32 @!p1 $0x2000, s16;
	s16 =	sadd.s32 @!p1 s6, s17;
	s14 =	sshll.u32 @!p1 s14, $0x4  }
0x25: {  	s17 =	simm.s32 @!p1 $0x1C00;
	s14 =	sadd.s32 @!p1 s14, s16;
	s16 =	simm.s32 @!p1 $0x40  }
0x26: {  	[tilespmem:s15], [sflag:$0x1] =	stream.strided.gather @!p1 [hbm4b:s14+s16], $0x2000, s17, s16, $0x38;
	[tilespmem:$0x8080] =	vst v63  }
0x27: {  	p1 =	sge.u32 s31, s5  }
.Ltmp2:
0x28: {  	_ = 	snop;
	(pc) =	sbr.rel @p1 .LBB1_5-.Ltmp2, $1  }
0x29: {  	_ =	sdelay $0x3  }
0x2a: {  	s14 =	simm.s32 $0x1  }
0x2b: {  	_ =	swait.ge [sflag:s4], $0x2000;
	s14 =	simm.s32 @!p0 $0x0  }
0x2c: {  	[sflag:s4] =	ssyncset.done $0x0;
	s15 =	sshll.u32 s14, $0xD  }
0x2d: {  	[sflag:s4] =	ssyncadd.s32 $0xFFFFE000;
	s18 =	sor.u32 $0x20, s15  }
0x2e: {  	s14 =	smul.u32 $0x8100, s14;
	v3 =	vld [tilespmem:s18+$0x10]  }
0x2f: {  	s30 =	sand.u32 $0x1, s11;
	v2 =	vld [tilespmem:s18+$0xFFFFFFF0]  }
0x30: {  	s15 =	smul.u32 $0x8100, s30;
	s14 =	sshrl.u32 s14, $0x2;
	v0 =	vld [tilespmem:s18+$0x0]  }
0x31: {  	v1 =	vld [tilespmem:s18+$0xFFFFFFE0];
	s16 =	sor.u32 $0x4000, s14  }
0x32: {  	s31 =	sshrl.u32 s15, $0x2;
	s15 =	sadd.s32 $0x0, s16  }
0x33: {  	s17 =	simm.s32 $0x4;
	s18 =	sadd.s32 $0x40, s18;
	s14 =	sor.u32 $0x4000, s31;
	[tilespmem:s15+$0x1830 ss:$0x81] =	vst.msk $0xffff, v3  }
.LBB1_3:
0x34: {  	v3 =	vld [tilespmem:s18+$0x10];
	p1 =	sne.s32 s17, $0x1FC;
	[tilespmem:s15+$0x810 ss:$0x81] =	vst.msk $0xffff, v2;
	s19 =	smov.u32 s17;
	s17 =	sadd.s32 $0x4, s17  }
.Ltmp3:
0x35: {  	v2 =	vld [tilespmem:s18+$0xFFFFFFF0];
	[tilespmem:s15+$0x1020 ss:$0x81] =	vst.msk $0xffff, v0;
	(pc) =	sbr.rel @p1 .LBB1_3-.Ltmp3, $4  }
0x36: {  	v0 =	vld [tilespmem:s18+$0x0];
	[tilespmem:s15+$0x0 ss:$0x81] =	vst.msk $0xffff, v1  }
0x37: {  	s15 =	sshra.s32 s19, $0x2;
	v1 =	vld [tilespmem:s18+$0xFFFFFFE0]  }
0x38: {  	s15 =	sadd.s32 s15, s16  }
0x39: {  	s18 =	sadd.s32 $0x40, s18;
	[tilespmem:s15+$0x1830 ss:$0x81] =	vst.msk $0xffff, v3  }
.Ltmp4:
0x3a: {  	_ = 	snop;
	(pc) =	sbr.rel .LBB1_4-.Ltmp4, $1  }
0x3b: {  	_ =	sdelay $0x3  }
.LBB1_6:
0x3c: {  	_ =	sfence.sel $0x180000  }
0x3d: {  	s2 =	simm.s32 $0x1;
	[bflag:$0x0] =	sbarrier.arrive $0xFFFF  }
0x3e: {  	s31 =	simm.s32 $0x2;
	[sflag:s2] =	ssyncpa.u1 $0x1  }
0x3f: {  	[sflag:s31] =	ssyncpa.u1 $0x1  }
0x40: {  	p0 =	sne.s32 s0, $0x0;
	_ =	strace $0x9000004A  }
0x41: {  	s0 =	sadd.s32 @!p0 $0x100000, s1;
	[bflag:$0x2] =	sbarrier.arrive $0xFFFF  }
0x42: {  	[sflag:s0] =	ssyncadd.tile.s32 @!p0 $0x1;
	_ =	shalt  }
.Lfunc_end1:
_tile_overlayer_lowered:
.L_overlay_start_2:
0x43: {  	(tag) =	ssettag $0x2  }
0x44: {  	s0 =	rddreg [dreg:$0x0];
	s2 =	stileid.u32  }
0x45: {  	s1 =	rddreg [dreg:$0x1];
	p0 =	sne.s32 s2, $0x0  }
0x46: {  	s3 =	rddreg [dreg:$0x2];
	[bflag:$0x3] =	sbarrier.arrive $0xFFFF;
	s2 =	simm.s32 @!p0 $0x1C01  }
0x47: {  	[timem:s3], [sflag:s2] =	dma.local @!p0 [hbm:s0], s1  }
0x48: {  	s0 =	simm.s32 @!p0 $0x1  }
0x49: {  	_ =	swait.ge @!p0 [sflag:s0], s1  }
0x4a: {  	s1 =	ssub.s32 @!p0 $0x0, s1;
	[sflag:s0] =	ssyncset.done @!p0 $0x0  }
0x4b: {  	[sflag:s0] =	ssyncadd.s32 @!p0 s1  }
0x4c: {  	[bflag:$0x3] =	sbarrier.arrive $0xFFFF  }
0x4d: {  	_ =	shalt  }

</sc_bundles>
